<compile_context>
chip_gen: v7x
topology: tpu7x:2x2x1
jax: 0.10.2.dev20260603
libtpu: 0.0.44.dev20260713+nightly
codegen_flags: <defaults>
</compile_context>

<pallas_src>
import functools

import jax
import jax.numpy as jnp
from jax import lax
from jax.experimental import pallas as pl
from jax.experimental.pallas import tpu as pltpu
from jax.experimental.pallas import tpu_sc as plsc

_NUM_EXAMPLES = 1024
_SEQ_LEN = 50
_VOCAB = 1000

_LANES = 16
_NUM_CORES = 2
_ROWS_PER_W = 2
_VPAD = 1024
_NV = _VPAD // _LANES
_CHUNK = 1024
_NCH = _VPAD // _CHUNK
_ROW_STRIDE = _SEQ_LEN * _VOCAB * _NUM_EXAMPLES // _SEQ_LEN
_G_STRIDE = 16384

_LN2 = 0.6931471805599453
_SQRT2 = 1.4142135623730951


def _vlog(x):
    bits = lax.bitcast_convert_type(x, jnp.int32)
    e = lax.shift_right_logical(bits, 23) - 127
    mbits = lax.bitwise_or(lax.bitwise_and(bits, 0x007FFFFF), 0x3F800000)
    m = lax.bitcast_convert_type(mbits, jnp.float32)
    big = m > _SQRT2
    m = jnp.where(big, m * 0.5, m)
    e = jnp.where(big, e + 1, e)
    t = (m - 1.0) / (m + 1.0)
    t2 = t * t
    p = t * (2.0 + t2 * (2.0 / 3.0 + t2 * (0.4 + t2 * (2.0 / 7.0))))
    return e.astype(jnp.float32) * _LN2 + p


def _xlane(x, op):
    dnums = lax.GatherDimensionNumbers(
        offset_dims=(), collapsed_slice_dims=(0,), start_index_map=(0,))
    for step in (1, 2, 4, 8):
        perm = lax.bitwise_xor(lax.iota(jnp.int32, _LANES), step)
        shuf = lax.gather(x, perm.reshape(_LANES, 1), dnums, (1,),
                          mode=lax.GatherScatterMode.PROMISE_IN_BOUNDS)
        x = op(x, shuf)
    return x


def _sc_body(wf_hbm, base_hbm, out_hbm, idx_v, idxb, rowb, sem):
    wid = lax.axis_index("s") * _NUM_CORES + lax.axis_index("c")
    pltpu.sync_copy(base_hbm, idx_v)
    e = idx_v[...][0]
    row0 = wid * _ROWS_PER_W

    @pl.when(row0 < _SEQ_LEN)
    def _():
        lane = lax.iota(jnp.int32, _LANES)
        lanepat = (lax.shift_right_logical(lane, 3) * 8192
                   + lax.bitwise_and(lane, 7) * 128)
        ebase = (lax.shift_right_logical(e, 7) * 1024
                 + lax.bitwise_and(e, 127))

        ninf = jnp.full((_LANES,), -jnp.inf, jnp.float32)
        copies = []
        for r in range(_ROWS_PER_W):
            rowbase = (row0 + r) * _ROW_STRIDE + ebase
            def _ibody(g, _):
                idxb[pl.ds(r * _VPAD + g * _LANES, _LANES)] = (
                    jnp.full((_LANES,), rowbase + g * _G_STRIDE,
                             jnp.int32) + lanepat)
                return 0
            lax.fori_loop(0, _NV - 2, _ibody, 0, unroll=8)
            iv = jnp.full((_LANES,), rowbase + (_NV - 2) * _G_STRIDE,
                          jnp.int32) + lanepat
            iv = jnp.where(lane < 8, iv,
                           jnp.full((_LANES,), rowbase, jnp.int32))
            idxb[pl.ds(r * _VPAD + (_NV - 2) * _LANES, _LANES)] = iv
            idxb[pl.ds(r * _VPAD + (_NV - 1) * _LANES, _LANES)] = (
                jnp.full((_LANES,), rowbase, jnp.int32))
            for ch in range(_NCH):
                copies.append(pltpu.async_copy(
                    wf_hbm.at[idxb.at[pl.ds(r * _VPAD + ch * _CHUNK,
                                            _CHUNK)]],
                    rowb.at[pl.ds(r * _VPAD + ch * _CHUNK, _CHUNK)],
                    sem))

        for r in range(_ROWS_PER_W):
            b0 = r * _VPAD
            for cp in copies[r * _NCH:(r + 1) * _NCH]:
                cp.wait()
            v = rowb[pl.ds(b0 + 992, _LANES)]
            rowb[pl.ds(b0 + 992, _LANES)] = jnp.where(lane < 8, v, ninf)
            rowb[pl.ds(b0 + 1008, _LANES)] = ninf
            m = lax.fori_loop(
                0, _NV,
                lambda k, m: jnp.maximum(
                    m, rowb[pl.ds(b0 + k * _LANES, _LANES)]),
                ninf, unroll=8)
            mb = _xlane(m, jnp.maximum)
            s = lax.fori_loop(
                0, _NV,
                lambda k, s: s + jnp.exp(
                    rowb[pl.ds(b0 + k * _LANES, _LANES)] - mb),
                jnp.zeros((_LANES,), jnp.float32), unroll=8)
            off = mb + _vlog(_xlane(s, jnp.add))

            def _obody(k, _):
                rowb[pl.ds(b0 + k * _LANES, _LANES)] = (
                    rowb[pl.ds(b0 + k * _LANES, _LANES)] - off)
                return 0
            lax.fori_loop(0, _NV, _obody, 0, unroll=8)
            pltpu.sync_copy(
                rowb.at[pl.ds(b0, _VOCAB)],
                out_hbm.at[pl.ds((row0 + r) * _VOCAB, _VOCAB)])


_sc_kernel = functools.partial(
    pl.kernel,
    mesh=plsc.VectorSubcoreMesh(core_axis_name="c", subcore_axis_name="s"),
    out_type=jax.ShapeDtypeStruct((_SEQ_LEN * _VOCAB,), jnp.float32),
    scratch_types=[
        pltpu.VMEM((_LANES,), jnp.int32),
        pltpu.VMEM((_ROWS_PER_W * _VPAD,), jnp.int32),
        pltpu.VMEM((_ROWS_PER_W * _VPAD,), jnp.float32),
        pltpu.SemaphoreType.DMA,
    ],
)(_sc_body)


def kernel(weights, example_idx):
    wf = (weights.transpose(1, 2, 0)
          .reshape(_SEQ_LEN * _VOCAB // 8, 8, _NUM_EXAMPLES // 128, 128)
          .swapaxes(1, 2)
          .reshape(_SEQ_LEN * _VOCAB * _NUM_EXAMPLES))
    base = jnp.broadcast_to(jnp.asarray(example_idx, jnp.int32), (_LANES,))
    return _sc_kernel(wf, base).reshape(_SEQ_LEN, _VOCAB)

# --- scband reference (transcript-rebuilt; emitter-appended) ---
"""Pipeline reference for scband-memorization-model-13202729468563 (READ-ONLY COPY).

The authoritative reference and input builder live on the scoring server;
editing this copy changes nothing except your own understanding.
"""

import jax, jax.numpy as jnp
import numpy as np

NUM_EXAMPLES = 1024
SEQ_LEN = 50
VOCAB_SIZE = 1000

def setup_inputs(seed: int = 0) -> dict:
    key = jax.random.key(seed)
    kw, _ = jax.random.split(key)
    weights = jax.random.normal(kw, (NUM_EXAMPLES, SEQ_LEN, VOCAB_SIZE), dtype=jnp.float32)
    example_idx = 512
    return {"weights": weights, "example_idx": example_idx}

def reference(weights, example_idx):
    # gather one example's [seq_len, vocab] logit table, then log_softmax over vocab
    w = jnp.take(weights, example_idx, axis=0)
    log_probs = jax.nn.log_softmax(w, axis=-1)
    return log_probs

if __name__ == "__main__":
    import jax
    _d = setup_inputs()
    print(jax.jit(kernel)(*tuple(_d.values())))

</pallas_src>

<mosaic_0001>
#map = affine_map<(d0, d1) -> (0)>
module attributes {stable_mosaic.version = 14 : i64} {
  func.func @_sc_body(%arg0: i32, %arg1: i32, %arg2: memref<51200000xf32, #tpu.memory_space<hbm>>, %arg3: memref<16xi32, #tpu.memory_space<hbm>>, %arg4: memref<50000xf32, #tpu.memory_space<hbm>>, %arg5: memref<16xi32, #tpu.memory_space<vmem>>, %arg6: memref<2048xi32, #tpu.memory_space<vmem>>, %arg7: memref<2048xf32, #tpu.memory_space<vmem>>, %arg8: memref<!tpu.dma_semaphore, #tpu.memory_space<semaphore_mem>>) attributes {dimension_semantics = [#tpu.dimension_semantics<core_parallel>, #tpu.dimension_semantics<subcore_parallel>], iteration_bounds = array<i64: 2, 16>, scalar_prefetch = 0 : i64, scratch_operands = 4 : i64, tpu.core_type = #tpu.core_type<sc_vector_subcore>, window_params = [{transform_indices = #map}, {transform_indices = #map}, {transform_indices = #map}]} {
    %mul3A = arith.constant 2 : i32
    %mul3A_0 = arith.muli %arg1, %mul3A : i32
    %add3A = arith.addi %mul3A_0, %arg0 : i32
    "tpu.region"() ({
      %run_scoped3A = tpu.sem_alloc : memref<!tpu.dma_semaphore, #tpu.memory_space<semaphore_mem>>
      tpu.enqueue_dma source(%arg3 : memref<16xi32, #tpu.memory_space<hbm>>) target(%arg5 : memref<16xi32, #tpu.memory_space<vmem>>) target_semaphore(%run_scoped3A : memref<!tpu.dma_semaphore, #tpu.memory_space<semaphore_mem>>)
      tpu.wait_dma2 semaphore(%run_scoped3A : memref<!tpu.dma_semaphore, #tpu.memory_space<semaphore_mem>>) src(%arg3 : memref<16xi32, #tpu.memory_space<hbm>>) dst(%arg5 : memref<16xi32, #tpu.memory_space<vmem>>)
      tpu.yield
    }) : () -> ()
    %get3A = arith.constant 0 : index
    %get3A_1 = tpu.vector_load %arg5[%get3A] {strides = array<i32>} : memref<16xi32, #tpu.memory_space<vmem>>, vector<16xi32>,
    %get3A_2 = vector.shape_cast %get3A_1 : vector<16xi32> to vector<16xi32>
    %slice3A = vector.extract_strided_slice %get3A_2 {offsets = [0], sizes = [1], strides = [1]} : vector<16xi32> to vector<1xi32>
    %squeeze3A = vector.extract %slice3A[0] : i32 from vector<1xi32>
    %mul3A_3 = arith.constant 2 : i32
    %mul3A_4 = arith.muli %add3A, %mul3A_3 : i32
    %lt3A = arith.constant 50 : i32
    %lt3A_5 = arith.cmpi slt, %mul3A_4, %lt3A : i32
    %convert_element_type3A = arith.extui %lt3A_5 : i1 to i32
    %cond3A = arith.constant 0 : i32
    %cond3A_6 = arith.cmpi ne, %convert_element_type3A, %cond3A : i32
    scf.if %cond3A_6 {
      %iota3A = tpu.iota {dimensions = array<i32: 0>} : vector<16xi32>
      %shift_right_logical3A = arith.constant 3 : i32
      %shift_right_logical3A_7 = vector.broadcast %shift_right_logical3A : i32 to vector<16xi32>
      %shift_right_logical3A_8 = arith.shrui %iota3A, %shift_right_logical3A_7 : vector<16xi32>
      %mul3A_9 = arith.constant 8192 : i32
      %mul3A_10 = vector.broadcast %mul3A_9 : i32 to vector<16xi32>
      %mul3A_11 = arith.muli %shift_right_logical3A_8, %mul3A_10 : vector<16xi32>
      %and3A = arith.constant 7 : i32
      %and3A_12 = vector.broadcast %and3A : i32 to vector<16xi32>
      %and3A_13 = arith.andi %iota3A, %and3A_12 : vector<16xi32>
      %mul3A_14 = arith.constant 128 : i32
      %mul3A_15 = vector.broadcast %mul3A_14 : i32 to vector<16xi32>
      %mul3A_16 = arith.muli %and3A_13, %mul3A_15 : vector<16xi32>
      %add3A_17 = arith.addi %mul3A_11, %mul3A_16 : vector<16xi32>
      %shift_right_logical3A_18 = arith.constant 7 : i32
      %shift_right_logical3A_19 = arith.shrui %squeeze3A, %shift_right_logical3A_18 : i32
      %mul3A_20 = arith.constant 1024 : i32
      %mul3A_21 = arith.muli %shift_right_logical3A_19, %mul3A_20 : i32
      %and3A_22 = arith.constant 127 : i32
      %and3A_23 = arith.andi %squeeze3A, %and3A_22 : i32
      %add3A_24 = arith.addi %mul3A_21, %and3A_23 : i32
      %broadcast_in_dim3A = arith.constant 0xFF800000 : f32
      %broadcast_in_dim3A_25 = vector.broadcast %broadcast_in_dim3A : f32 to vector<16xf32>
      %add3A_26 = arith.constant 0 : i32
      %add3A_27 = arith.addi %mul3A_4, %add3A_26 : i32
      %mul3A_28 = arith.constant 1024000 : i32
      %mul3A_29 = arith.muli %add3A_27, %mul3A_28 : i32
      %add3A_30 = arith.addi %mul3A_29, %add3A_24 : i32
      %scan3A = arith.constant 0 : i32
      %scan3A_31 = arith.constant 0 : i32
      %scan3A_32 = arith.constant 56 : i32
      %scan3A_33 = arith.addi %scan3A_31, %scan3A_32 : i32
      %scan3A_34 = arith.constant 8 : i32
      %scan3A_35 = scf.for %scan3A_604 = %scan3A_31 to %scan3A_33 step %scan3A_34 iter_args(%scan3A_605 = %scan3A) -> (i32)  : i32 {
        %mul3A_606 = arith.constant 16384 : i32
        %mul3A_607 = arith.muli %scan3A_604, %mul3A_606 : i32
        %add3A_608 = arith.addi %add3A_30, %mul3A_607 : i32
        %broadcast_in_dim3A_609 = vector.broadcast %add3A_608 : i32 to vector<16xi32>
        %add3A_610 = arith.addi %broadcast_in_dim3A_609, %add3A_17 : vector<16xi32>
        %mul3A_611 = arith.constant 16 : i32
        %mul3A_612 = arith.muli %scan3A_604, %mul3A_611 : i32
        %add3A_613 = arith.constant 0 : i32
        %add3A_614 = arith.addi %add3A_613, %mul3A_612 : i32
        %swap3A_615 = arith.index_cast %add3A_614 : i32 to index
        %swap3A_616 = tpu.vector_load %arg6[%swap3A_615] {strides = array<i32>} : memref<2048xi32, #tpu.memory_space<vmem>>, vector<16xi32>,
        %swap3A_617 = vector.shape_cast %swap3A_616 : vector<16xi32> to vector<16xi32>
        %swap3A_618 = vector.shape_cast %add3A_610 : vector<16xi32> to vector<16xi32>
        tpu.vector_store %arg6[%swap3A_615], %swap3A_618 {strides = array<i32>} : memref<2048xi32, #tpu.memory_space<vmem>>, vector<16xi32>,
        %scan3A_619 = arith.constant 0 : i32
        %scan3A_620 = arith.constant 1 : i32
        %scan3A_621 = arith.addi %scan3A_604, %scan3A_620 : i32
        %mul3A_622 = arith.constant 16384 : i32
        %mul3A_623 = arith.muli %scan3A_621, %mul3A_622 : i32
        %add3A_624 = arith.addi %add3A_30, %mul3A_623 : i32
        %broadcast_in_dim3A_625 = vector.broadcast %add3A_624 : i32 to vector<16xi32>
        %add3A_626 = arith.addi %broadcast_in_dim3A_625, %add3A_17 : vector<16xi32>
        %mul3A_627 = arith.constant 16 : i32
        %mul3A_628 = arith.muli %scan3A_621, %mul3A_627 : i32
        %add3A_629 = arith.constant 0 : i32
        %add3A_630 = arith.addi %add3A_629, %mul3A_628 : i32
        %swap3A_631 = arith.index_cast %add3A_630 : i32 to index
        %swap3A_632 = tpu.vector_load %arg6[%swap3A_631] {strides = array<i32>} : memref<2048xi32, #tpu.memory_space<vmem>>, vector<16xi32>,
        %swap3A_633 = vector.shape_cast %swap3A_632 : vector<16xi32> to vector<16xi32>
        %swap3A_634 = vector.shape_cast %add3A_626 : vector<16xi32> to vector<16xi32>
        tpu.vector_store %arg6[%swap3A_631], %swap3A_634 {strides = array<i32>} : memref<2048xi32, #tpu.memory_space<vmem>>, vector<16xi32>,
        %scan3A_635 = arith.constant 0 : i32
        %scan3A_636 = arith.constant 2 : i32
        %scan3A_637 = arith.addi %scan3A_604, %scan3A_636 : i32
        %mul3A_638 = arith.constant 16384 : i32
        %mul3A_639 = arith.muli %scan3A_637, %mul3A_638 : i32
        %add3A_640 = arith.addi %add3A_30, %mul3A_639 : i32
        %broadcast_in_dim3A_641 = vector.broadcast %add3A_640 : i32 to vector<16xi32>
        %add3A_642 = arith.addi %broadcast_in_dim3A_641, %add3A_17 : vector<16xi32>
        %mul3A_643 = arith.constant 16 : i32
        %mul3A_644 = arith.muli %scan3A_637, %mul3A_643 : i32
        %add3A_645 = arith.constant 0 : i32
        %add3A_646 = arith.addi %add3A_645, %mul3A_644 : i32
        %swap3A_647 = arith.index_cast %add3A_646 : i32 to index
        %swap3A_648 = tpu.vector_load %arg6[%swap3A_647] {strides = array<i32>} : memref<2048xi32, #tpu.memory_space<vmem>>, vector<16xi32>,
        %swap3A_649 = vector.shape_cast %swap3A_648 : vector<16xi32> to vector<16xi32>
        %swap3A_650 = vector.shape_cast %add3A_642 : vector<16xi32> to vector<16xi32>
        tpu.vector_store %arg6[%swap3A_647], %swap3A_650 {strides = array<i32>} : memref<2048xi32, #tpu.memory_space<vmem>>, vector<16xi32>,
        %scan3A_651 = arith.constant 0 : i32
        %scan3A_652 = arith.constant 3 : i32
        %scan3A_653 = arith.addi %scan3A_604, %scan3A_652 : i32
        %mul3A_654 = arith.constant 16384 : i32
        %mul3A_655 = arith.muli %scan3A_653, %mul3A_654 : i32
        %add3A_656 = arith.addi %add3A_30, %mul3A_655 : i32
        %broadcast_in_dim3A_657 = vector.broadcast %add3A_656 : i32 to vector<16xi32>
        %add3A_658 = arith.addi %broadcast_in_dim3A_657, %add3A_17 : vector<16xi32>
        %mul3A_659 = arith.constant 16 : i32
        %mul3A_660 = arith.muli %scan3A_653, %mul3A_659 : i32
        %add3A_661 = arith.constant 0 : i32
        %add3A_662 = arith.addi %add3A_661, %mul3A_660 : i32
        %swap3A_663 = arith.index_cast %add3A_662 : i32 to index
        %swap3A_664 = tpu.vector_load %arg6[%swap3A_663] {strides = array<i32>} : memref<2048xi32, #tpu.memory_space<vmem>>, vector<16xi32>,
        %swap3A_665 = vector.shape_cast %swap3A_664 : vector<16xi32> to vector<16xi32>
        %swap3A_666 = vector.shape_cast %add3A_658 : vector<16xi32> to vector<16xi32>
        tpu.vector_store %arg6[%swap3A_663], %swap3A_666 {strides = array<i32>} : memref<2048xi32, #tpu.memory_space<vmem>>, vector<16xi32>,
        %scan3A_667 = arith.constant 0 : i32
        %scan3A_668 = arith.constant 4 : i32
        %scan3A_669 = arith.addi %scan3A_604, %scan3A_668 : i32
        %mul3A_670 = arith.constant 16384 : i32
        %mul3A_671 = arith.muli %scan3A_669, %mul3A_670 : i32
        %add3A_672 = arith.addi %add3A_30, %mul3A_671 : i32
        %broadcast_in_dim3A_673 = vector.broadcast %add3A_672 : i32 to vector<16xi32>
        %add3A_674 = arith.addi %broadcast_in_dim3A_673, %add3A_17 : vector<16xi32>
        %mul3A_675 = arith.constant 16 : i32
        %mul3A_676 = arith.muli %scan3A_669, %mul3A_675 : i32
        %add3A_677 = arith.constant 0 : i32
        %add3A_678 = arith.addi %add3A_677, %mul3A_676 : i32
        %swap3A_679 = arith.index_cast %add3A_678 : i32 to index
        %swap3A_680 = tpu.vector_load %arg6[%swap3A_679] {strides = array<i32>} : memref<2048xi32, #tpu.memory_space<vmem>>, vector<16xi32>,
        %swap3A_681 = vector.shape_cast %swap3A_680 : vector<16xi32> to vector<16xi32>
        %swap3A_682 = vector.shape_cast %add3A_674 : vector<16xi32> to vector<16xi32>
        tpu.vector_store %arg6[%swap3A_679], %swap3A_682 {strides = array<i32>} : memref<2048xi32, #tpu.memory_space<vmem>>, vector<16xi32>,
        %scan3A_683 = arith.constant 0 : i32
        %scan3A_684 = arith.constant 5 : i32
        %scan3A_685 = arith.addi %scan3A_604, %scan3A_684 : i32
        %mul3A_686 = arith.constant 16384 : i32
        %mul3A_687 = arith.muli %scan3A_685, %mul3A_686 : i32
        %add3A_688 = arith.addi %add3A_30, %mul3A_687 : i32
        %broadcast_in_dim3A_689 = vector.broadcast %add3A_688 : i32 to vector<16xi32>
        %add3A_690 = arith.addi %broadcast_in_dim3A_689, %add3A_17 : vector<16xi32>
        %mul3A_691 = arith.constant 16 : i32
        %mul3A_692 = arith.muli %scan3A_685, %mul3A_691 : i32
        %add3A_693 = arith.constant 0 : i32
        %add3A_694 = arith.addi %add3A_693, %mul3A_692 : i32
        %swap3A_695 = arith.index_cast %add3A_694 : i32 to index
        %swap3A_696 = tpu.vector_load %arg6[%swap3A_695] {strides = array<i32>} : memref<2048xi32, #tpu.memory_space<vmem>>, vector<16xi32>,
        %swap3A_697 = vector.shape_cast %swap3A_696 : vector<16xi32> to vector<16xi32>
        %swap3A_698 = vector.shape_cast %add3A_690 : vector<16xi32> to vector<16xi32>
        tpu.vector_store %arg6[%swap3A_695], %swap3A_698 {strides = array<i32>} : memref<2048xi32, #tpu.memory_space<vmem>>, vector<16xi32>,
        %scan3A_699 = arith.constant 0 : i32
        %scan3A_700 = arith.constant 6 : i32
        %scan3A_701 = arith.addi %scan3A_604, %scan3A_700 : i32
        %mul3A_702 = arith.constant 16384 : i32
        %mul3A_703 = arith.muli %scan3A_701, %mul3A_702 : i32
        %add3A_704 = arith.addi %add3A_30, %mul3A_703 : i32
        %broadcast_in_dim3A_705 = vector.broadcast %add3A_704 : i32 to vector<16xi32>
        %add3A_706 = arith.addi %broadcast_in_dim3A_705, %add3A_17 : vector<16xi32>
        %mul3A_707 = arith.constant 16 : i32
        %mul3A_708 = arith.muli %scan3A_701, %mul3A_707 : i32
        %add3A_709 = arith.constant 0 : i32
        %add3A_710 = arith.addi %add3A_709, %mul3A_708 : i32
        %swap3A_711 = arith.index_cast %add3A_710 : i32 to index
        %swap3A_712 = tpu.vector_load %arg6[%swap3A_711] {strides = array<i32>} : memref<2048xi32, #tpu.memory_space<vmem>>, vector<16xi32>,
        %swap3A_713 = vector.shape_cast %swap3A_712 : vector<16xi32> to vector<16xi32>
        %swap3A_714 = vector.shape_cast %add3A_706 : vector<16xi32> to vector<16xi32>
        tpu.vector_store %arg6[%swap3A_711], %swap3A_714 {strides = array<i32>} : memref<2048xi32, #tpu.memory_space<vmem>>, vector<16xi32>,
        %scan3A_715 = arith.constant 0 : i32
        %scan3A_716 = arith.constant 7 : i32
        %scan3A_717 = arith.addi %scan3A_604, %scan3A_716 : i32
        %mul3A_718 = arith.constant 16384 : i32
        %mul3A_719 = arith.muli %scan3A_717, %mul3A_718 : i32
        %add3A_720 = arith.addi %add3A_30, %mul3A_719 : i32
        %broadcast_in_dim3A_721 = vector.broadcast %add3A_720 : i32 to vector<16xi32>
        %add3A_722 = arith.addi %broadcast_in_dim3A_721, %add3A_17 : vector<16xi32>
        %mul3A_723 = arith.constant 16 : i32
        %mul3A_724 = arith.muli %scan3A_717, %mul3A_723 : i32
        %add3A_725 = arith.constant 0 : i32
        %add3A_726 = arith.addi %add3A_725, %mul3A_724 : i32
        %swap3A_727 = arith.index_cast %add3A_726 : i32 to index
        %swap3A_728 = tpu.vector_load %arg6[%swap3A_727] {strides = array<i32>} : memref<2048xi32, #tpu.memory_space<vmem>>, vector<16xi32>,
        %swap3A_729 = vector.shape_cast %swap3A_728 : vector<16xi32> to vector<16xi32>
        %swap3A_730 = vector.shape_cast %add3A_722 : vector<16xi32> to vector<16xi32>
        tpu.vector_store %arg6[%swap3A_727], %swap3A_730 {strides = array<i32>} : memref<2048xi32, #tpu.memory_space<vmem>>, vector<16xi32>,
        %scan3A_731 = arith.constant 0 : i32
        scf.yield %scan3A_731 : i32
      }
      %scan3A_36 = arith.constant 56 : i32
      %scan3A_37 = arith.addi %scan3A_31, %scan3A_36 : i32
      %mul3A_38 = arith.constant 16384 : i32
      %mul3A_39 = arith.muli %scan3A_37, %mul3A_38 : i32
      %add3A_40 = arith.addi %add3A_30, %mul3A_39 : i32
      %broadcast_in_dim3A_41 = vector.broadcast %add3A_40 : i32 to vector<16xi32>
      %add3A_42 = arith.addi %broadcast_in_dim3A_41, %add3A_17 : vector<16xi32>
      %mul3A_43 = arith.constant 16 : i32
      %mul3A_44 = arith.muli %scan3A_37, %mul3A_43 : i32
      %add3A_45 = arith.constant 0 : i32
      %add3A_46 = arith.addi %add3A_45, %mul3A_44 : i32
      %swap3A = arith.index_cast %add3A_46 : i32 to index
      %swap3A_47 = tpu.vector_load %arg6[%swap3A] {strides = array<i32>} : memref<2048xi32, #tpu.memory_space<vmem>>, vector<16xi32>,
      %swap3A_48 = vector.shape_cast %swap3A_47 : vector<16xi32> to vector<16xi32>
      %swap3A_49 = vector.shape_cast %add3A_42 : vector<16xi32> to vector<16xi32>
      tpu.vector_store %arg6[%swap3A], %swap3A_49 {strides = array<i32>} : memref<2048xi32, #tpu.memory_space<vmem>>, vector<16xi32>,
      %scan3A_50 = arith.constant 0 : i32
      %scan3A_51 = arith.constant 57 : i32
      %scan3A_52 = arith.addi %scan3A_31, %scan3A_51 : i32
      %mul3A_53 = arith.constant 16384 : i32
      %mul3A_54 = arith.muli %scan3A_52, %mul3A_53 : i32
      %add3A_55 = arith.addi %add3A_30, %mul3A_54 : i32
      %broadcast_in_dim3A_56 = vector.broadcast %add3A_55 : i32 to vector<16xi32>
      %add3A_57 = arith.addi %broadcast_in_dim3A_56, %add3A_17 : vector<16xi32>
      %mul3A_58 = arith.constant 16 : i32
      %mul3A_59 = arith.muli %scan3A_52, %mul3A_58 : i32
      %add3A_60 = arith.constant 0 : i32
      %add3A_61 = arith.addi %add3A_60, %mul3A_59 : i32
      %swap3A_62 = arith.index_cast %add3A_61 : i32 to index
      %swap3A_63 = tpu.vector_load %arg6[%swap3A_62] {strides = array<i32>} : memref<2048xi32, #tpu.memory_space<vmem>>, vector<16xi32>,
      %swap3A_64 = vector.shape_cast %swap3A_63 : vector<16xi32> to vector<16xi32>
      %swap3A_65 = vector.shape_cast %add3A_57 : vector<16xi32> to vector<16xi32>
      tpu.vector_store %arg6[%swap3A_62], %swap3A_65 {strides = array<i32>} : memref<2048xi32, #tpu.memory_space<vmem>>, vector<16xi32>,
      %scan3A_66 = arith.constant 0 : i32
      %scan3A_67 = arith.constant 58 : i32
      %scan3A_68 = arith.addi %scan3A_31, %scan3A_67 : i32
      %mul3A_69 = arith.constant 16384 : i32
      %mul3A_70 = arith.muli %scan3A_68, %mul3A_69 : i32
      %add3A_71 = arith.addi %add3A_30, %mul3A_70 : i32
      %broadcast_in_dim3A_72 = vector.broadcast %add3A_71 : i32 to vector<16xi32>
      %add3A_73 = arith.addi %broadcast_in_dim3A_72, %add3A_17 : vector<16xi32>
      %mul3A_74 = arith.constant 16 : i32
      %mul3A_75 = arith.muli %scan3A_68, %mul3A_74 : i32
      %add3A_76 = arith.constant 0 : i32
      %add3A_77 = arith.addi %add3A_76, %mul3A_75 : i32
      %swap3A_78 = arith.index_cast %add3A_77 : i32 to index
      %swap3A_79 = tpu.vector_load %arg6[%swap3A_78] {strides = array<i32>} : memref<2048xi32, #tpu.memory_space<vmem>>, vector<16xi32>,
      %swap3A_80 = vector.shape_cast %swap3A_79 : vector<16xi32> to vector<16xi32>
      %swap3A_81 = vector.shape_cast %add3A_73 : vector<16xi32> to vector<16xi32>
      tpu.vector_store %arg6[%swap3A_78], %swap3A_81 {strides = array<i32>} : memref<2048xi32, #tpu.memory_space<vmem>>, vector<16xi32>,
      %scan3A_82 = arith.constant 0 : i32
      %scan3A_83 = arith.constant 59 : i32
      %scan3A_84 = arith.addi %scan3A_31, %scan3A_83 : i32
      %mul3A_85 = arith.constant 16384 : i32
      %mul3A_86 = arith.muli %scan3A_84, %mul3A_85 : i32
      %add3A_87 = arith.addi %add3A_30, %mul3A_86 : i32
      %broadcast_in_dim3A_88 = vector.broadcast %add3A_87 : i32 to vector<16xi32>
      %add3A_89 = arith.addi %broadcast_in_dim3A_88, %add3A_17 : vector<16xi32>
      %mul3A_90 = arith.constant 16 : i32
      %mul3A_91 = arith.muli %scan3A_84, %mul3A_90 : i32
      %add3A_92 = arith.constant 0 : i32
      %add3A_93 = arith.addi %add3A_92, %mul3A_91 : i32
      %swap3A_94 = arith.index_cast %add3A_93 : i32 to index
      %swap3A_95 = tpu.vector_load %arg6[%swap3A_94] {strides = array<i32>} : memref<2048xi32, #tpu.memory_space<vmem>>, vector<16xi32>,
      %swap3A_96 = vector.shape_cast %swap3A_95 : vector<16xi32> to vector<16xi32>
      %swap3A_97 = vector.shape_cast %add3A_89 : vector<16xi32> to vector<16xi32>
      tpu.vector_store %arg6[%swap3A_94], %swap3A_97 {strides = array<i32>} : memref<2048xi32, #tpu.memory_space<vmem>>, vector<16xi32>,
      %scan3A_98 = arith.constant 0 : i32
      %scan3A_99 = arith.constant 60 : i32
      %scan3A_100 = arith.addi %scan3A_31, %scan3A_99 : i32
      %mul3A_101 = arith.constant 16384 : i32
      %mul3A_102 = arith.muli %scan3A_100, %mul3A_101 : i32
      %add3A_103 = arith.addi %add3A_30, %mul3A_102 : i32
      %broadcast_in_dim3A_104 = vector.broadcast %add3A_103 : i32 to vector<16xi32>
      %add3A_105 = arith.addi %broadcast_in_dim3A_104, %add3A_17 : vector<16xi32>
      %mul3A_106 = arith.constant 16 : i32
      %mul3A_107 = arith.muli %scan3A_100, %mul3A_106 : i32
      %add3A_108 = arith.constant 0 : i32
      %add3A_109 = arith.addi %add3A_108, %mul3A_107 : i32
      %swap3A_110 = arith.index_cast %add3A_109 : i32 to index
      %swap3A_111 = tpu.vector_load %arg6[%swap3A_110] {strides = array<i32>} : memref<2048xi32, #tpu.memory_space<vmem>>, vector<16xi32>,
      %swap3A_112 = vector.shape_cast %swap3A_111 : vector<16xi32> to vector<16xi32>
      %swap3A_113 = vector.shape_cast %add3A_105 : vector<16xi32> to vector<16xi32>
      tpu.vector_store %arg6[%swap3A_110], %swap3A_113 {strides = array<i32>} : memref<2048xi32, #tpu.memory_space<vmem>>, vector<16xi32>,
      %scan3A_114 = arith.constant 0 : i32
      %scan3A_115 = arith.constant 61 : i32
      %scan3A_116 = arith.addi %scan3A_31, %scan3A_115 : i32
      %mul3A_117 = arith.constant 16384 : i32
      %mul3A_118 = arith.muli %scan3A_116, %mul3A_117 : i32
      %add3A_119 = arith.addi %add3A_30, %mul3A_118 : i32
      %broadcast_in_dim3A_120 = vector.broadcast %add3A_119 : i32 to vector<16xi32>
      %add3A_121 = arith.addi %broadcast_in_dim3A_120, %add3A_17 : vector<16xi32>
      %mul3A_122 = arith.constant 16 : i32
      %mul3A_123 = arith.muli %scan3A_116, %mul3A_122 : i32
      %add3A_124 = arith.constant 0 : i32
      %add3A_125 = arith.addi %add3A_124, %mul3A_123 : i32
      %swap3A_126 = arith.index_cast %add3A_125 : i32 to index
      %swap3A_127 = tpu.vector_load %arg6[%swap3A_126] {strides = array<i32>} : memref<2048xi32, #tpu.memory_space<vmem>>, vector<16xi32>,
      %swap3A_128 = vector.shape_cast %swap3A_127 : vector<16xi32> to vector<16xi32>
      %swap3A_129 = vector.shape_cast %add3A_121 : vector<16xi32> to vector<16xi32>
      tpu.vector_store %arg6[%swap3A_126], %swap3A_129 {strides = array<i32>} : memref<2048xi32, #tpu.memory_space<vmem>>, vector<16xi32>,
      %scan3A_130 = arith.constant 0 : i32
      %scan3A_131 = arith.constant 62 : i32
      %add3A_132 = arith.constant 1015808 : i32
      %add3A_133 = arith.addi %add3A_30, %add3A_132 : i32
      %broadcast_in_dim3A_134 = vector.broadcast %add3A_133 : i32 to vector<16xi32>
      %add3A_135 = arith.addi %broadcast_in_dim3A_134, %add3A_17 : vector<16xi32>
      %lt3A_136 = arith.constant 8 : i32
      %lt3A_137 = vector.broadcast %lt3A_136 : i32 to vector<16xi32>
      %lt3A_138 = arith.cmpi slt, %iota3A, %lt3A_137 : vector<16xi32>
      %broadcast_in_dim3A_139 = vector.broadcast %add3A_30 : i32 to vector<16xi32>
      %select_n3A = arith.select %lt3A_138, %add3A_135, %broadcast_in_dim3A_139 : vector<16xi1>, vector<16xi32>
      %swap3A_140 = arith.constant 992 : index
      %swap3A_141 = tpu.vector_load %arg6[%swap3A_140] {strides = array<i32>} : memref<2048xi32, #tpu.memory_space<vmem>>, vector<16xi32>,
      %swap3A_142 = vector.shape_cast %swap3A_141 : vector<16xi32> to vector<16xi32>
      %swap3A_143 = vector.shape_cast %select_n3A : vector<16xi32> to vector<16xi32>
      tpu.vector_store %arg6[%swap3A_140], %swap3A_143 {strides = array<i32>} : memref<2048xi32, #tpu.memory_space<vmem>>, vector<16xi32>,
      %broadcast_in_dim3A_144 = vector.broadcast %add3A_30 : i32 to vector<16xi32>
      %swap3A_145 = arith.constant 1008 : index
      %swap3A_146 = tpu.vector_load %arg6[%swap3A_145] {strides = array<i32>} : memref<2048xi32, #tpu.memory_space<vmem>>, vector<16xi32>,
      %swap3A_147 = vector.shape_cast %swap3A_146 : vector<16xi32> to vector<16xi32>
      %swap3A_148 = vector.shape_cast %broadcast_in_dim3A_144 : vector<16xi32> to vector<16xi32>
      tpu.vector_store %arg6[%swap3A_145], %swap3A_148 {strides = array<i32>} : memref<2048xi32, #tpu.memory_space<vmem>>, vector<16xi32>,
      %dma_start3A = arith.constant 0 : i32
      %dma_start3A_149 = tpu.memref_slice %arg7[%dma_start3A] : memref<2048xf32, #tpu.memory_space<vmem>> -> memref<1024xf32, #tpu.memory_space<vmem>>
      %dma_start3A_150 = arith.constant 0 : i32
      %dma_start3A_151 = tpu.memref_slice %arg6[%dma_start3A_150] : memref<2048xi32, #tpu.memory_space<vmem>> -> memref<1024xi32, #tpu.memory_space<vmem>>
      %dma_start3A_152 = arith.constant 0 : i32
      %dma_start3A_153 = tpu.memref_slice %arg2[%dma_start3A_152] : memref<51200000xf32, #tpu.memory_space<hbm>> -> memref<51200000xf32, #tpu.memory_space<hbm>>
      tpu.enqueue_indirect_dma source(%dma_start3A_153 : memref<51200000xf32, #tpu.memory_space<hbm>>) target(%dma_start3A_149 : memref<1024xf32, #tpu.memory_space<vmem>>) offsets(%dma_start3A_151 : memref<1024xi32, #tpu.memory_space<vmem>>) semaphore(%arg8 : memref<!tpu.dma_semaphore, #tpu.memory_space<semaphore_mem>>)
      %add3A_154 = arith.constant 1 : i32
      %add3A_155 = arith.addi %mul3A_4, %add3A_154 : i32
      %mul3A_156 = arith.constant 1024000 : i32
      %mul3A_157 = arith.muli %add3A_155, %mul3A_156 : i32
      %add3A_158 = arith.addi %mul3A_157, %add3A_24 : i32
      %scan3A_159 = arith.constant 0 : i32
      %scan3A_160 = arith.constant 0 : i32
      %scan3A_161 = arith.constant 56 : i32
      %scan3A_162 = arith.addi %scan3A_160, %scan3A_161 : i32
      %scan3A_163 = arith.constant 8 : i32
      %scan3A_164 = scf.for %scan3A_604 = %scan3A_160 to %scan3A_162 step %scan3A_163 iter_args(%scan3A_605 = %scan3A_159) -> (i32)  : i32 {
        %mul3A_606 = arith.constant 16384 : i32
        %mul3A_607 = arith.muli %scan3A_604, %mul3A_606 : i32
        %add3A_608 = arith.addi %add3A_158, %mul3A_607 : i32
        %broadcast_in_dim3A_609 = vector.broadcast %add3A_608 : i32 to vector<16xi32>
        %add3A_610 = arith.addi %broadcast_in_dim3A_609, %add3A_17 : vector<16xi32>
        %mul3A_611 = arith.constant 16 : i32
        %mul3A_612 = arith.muli %scan3A_604, %mul3A_611 : i32
        %add3A_613 = arith.constant 1024 : i32
        %add3A_614 = arith.addi %add3A_613, %mul3A_612 : i32
        %swap3A_615 = arith.index_cast %add3A_614 : i32 to index
        %swap3A_616 = tpu.vector_load %arg6[%swap3A_615] {strides = array<i32>} : memref<2048xi32, #tpu.memory_space<vmem>>, vector<16xi32>,
        %swap3A_617 = vector.shape_cast %swap3A_616 : vector<16xi32> to vector<16xi32>
        %swap3A_618 = vector.shape_cast %add3A_610 : vector<16xi32> to vector<16xi32>
        tpu.vector_store %arg6[%swap3A_615], %swap3A_618 {strides = array<i32>} : memref<2048xi32, #tpu.memory_space<vmem>>, vector<16xi32>,
        %scan3A_619 = arith.constant 0 : i32
        %scan3A_620 = arith.constant 1 : i32
        %scan3A_621 = arith.addi %scan3A_604, %scan3A_620 : i32
        %mul3A_622 = arith.constant 16384 : i32
        %mul3A_623 = arith.muli %scan3A_621, %mul3A_622 : i32
        %add3A_624 = arith.addi %add3A_158, %mul3A_623 : i32
        %broadcast_in_dim3A_625 = vector.broadcast %add3A_624 : i32 to vector<16xi32>
        %add3A_626 = arith.addi %broadcast_in_dim3A_625, %add3A_17 : vector<16xi32>
        %mul3A_627 = arith.constant 16 : i32
        %mul3A_628 = arith.muli %scan3A_621, %mul3A_627 : i32
        %add3A_629 = arith.constant 1024 : i32
        %add3A_630 = arith.addi %add3A_629, %mul3A_628 : i32
        %swap3A_631 = arith.index_cast %add3A_630 : i32 to index
        %swap3A_632 = tpu.vector_load %arg6[%swap3A_631] {strides = array<i32>} : memref<2048xi32, #tpu.memory_space<vmem>>, vector<16xi32>,
        %swap3A_633 = vector.shape_cast %swap3A_632 : vector<16xi32> to vector<16xi32>
        %swap3A_634 = vector.shape_cast %add3A_626 : vector<16xi32> to vector<16xi32>
        tpu.vector_store %arg6[%swap3A_631], %swap3A_634 {strides = array<i32>} : memref<2048xi32, #tpu.memory_space<vmem>>, vector<16xi32>,
        %scan3A_635 = arith.constant 0 : i32
        %scan3A_636 = arith.constant 2 : i32
        %scan3A_637 = arith.addi %scan3A_604, %scan3A_636 : i32
        %mul3A_638 = arith.constant 16384 : i32
        %mul3A_639 = arith.muli %scan3A_637, %mul3A_638 : i32
        %add3A_640 = arith.addi %add3A_158, %mul3A_639 : i32
        %broadcast_in_dim3A_641 = vector.broadcast %add3A_640 : i32 to vector<16xi32>
        %add3A_642 = arith.addi %broadcast_in_dim3A_641, %add3A_17 : vector<16xi32>
        %mul3A_643 = arith.constant 16 : i32
        %mul3A_644 = arith.muli %scan3A_637, %mul3A_643 : i32
        %add3A_645 = arith.constant 1024 : i32
        %add3A_646 = arith.addi %add3A_645, %mul3A_644 : i32
        %swap3A_647 = arith.index_cast %add3A_646 : i32 to index
        %swap3A_648 = tpu.vector_load %arg6[%swap3A_647] {strides = array<i32>} : memref<2048xi32, #tpu.memory_space<vmem>>, vector<16xi32>,
        %swap3A_649 = vector.shape_cast %swap3A_648 : vector<16xi32> to vector<16xi32>
        %swap3A_650 = vector.shape_cast %add3A_642 : vector<16xi32> to vector<16xi32>
        tpu.vector_store %arg6[%swap3A_647], %swap3A_650 {strides = array<i32>} : memref<2048xi32, #tpu.memory_space<vmem>>, vector<16xi32>,
        %scan3A_651 = arith.constant 0 : i32
        %scan3A_652 = arith.constant 3 : i32
        %scan3A_653 = arith.addi %scan3A_604, %scan3A_652 : i32
        %mul3A_654 = arith.constant 16384 : i32
        %mul3A_655 = arith.muli %scan3A_653, %mul3A_654 : i32
        %add3A_656 = arith.addi %add3A_158, %mul3A_655 : i32
        %broadcast_in_dim3A_657 = vector.broadcast %add3A_656 : i32 to vector<16xi32>
        %add3A_658 = arith.addi %broadcast_in_dim3A_657, %add3A_17 : vector<16xi32>
        %mul3A_659 = arith.constant 16 : i32
        %mul3A_660 = arith.muli %scan3A_653, %mul3A_659 : i32
        %add3A_661 = arith.constant 1024 : i32
        %add3A_662 = arith.addi %add3A_661, %mul3A_660 : i32
        %swap3A_663 = arith.index_cast %add3A_662 : i32 to index
        %swap3A_664 = tpu.vector_load %arg6[%swap3A_663] {strides = array<i32>} : memref<2048xi32, #tpu.memory_space<vmem>>, vector<16xi32>,
        %swap3A_665 = vector.shape_cast %swap3A_664 : vector<16xi32> to vector<16xi32>
        %swap3A_666 = vector.shape_cast %add3A_658 : vector<16xi32> to vector<16xi32>
        tpu.vector_store %arg6[%swap3A_663], %swap3A_666 {strides = array<i32>} : memref<2048xi32, #tpu.memory_space<vmem>>, vector<16xi32>,
        %scan3A_667 = arith.constant 0 : i32
        %scan3A_668 = arith.constant 4 : i32
        %scan3A_669 = arith.addi %scan3A_604, %scan3A_668 : i32
        %mul3A_670 = arith.constant 16384 : i32
        %mul3A_671 = arith.muli %scan3A_669, %mul3A_670 : i32
        %add3A_672 = arith.addi %add3A_158, %mul3A_671 : i32
        %broadcast_in_dim3A_673 = vector.broadcast %add3A_672 : i32 to vector<16xi32>
        %add3A_674 = arith.addi %broadcast_in_dim3A_673, %add3A_17 : vector<16xi32>
        %mul3A_675 = arith.constant 16 : i32
        %mul3A_676 = arith.muli %scan3A_669, %mul3A_675 : i32
        %add3A_677 = arith.constant 1024 : i32
        %add3A_678 = arith.addi %add3A_677, %mul3A_676 : i32
        %swap3A_679 = arith.index_cast %add3A_678 : i32 to index
        %swap3A_680 = tpu.vector_load %arg6[%swap3A_679] {strides = array<i32>} : memref<2048xi32, #tpu.memory_space<vmem>>, vector<16xi32>,
        %swap3A_681 = vector.shape_cast %swap3A_680 : vector<16xi32> to vector<16xi32>
        %swap3A_682 = vector.shape_cast %add3A_674 : vector<16xi32> to vector<16xi32>
        tpu.vector_store %arg6[%swap3A_679], %swap3A_682 {strides = array<i32>} : memref<2048xi32, #tpu.memory_space<vmem>>, vector<16xi32>,
        %scan3A_683 = arith.constant 0 : i32
        %scan3A_684 = arith.constant 5 : i32
        %scan3A_685 = arith.addi %scan3A_604, %scan3A_684 : i32
        %mul3A_686 = arith.constant 16384 : i32
        %mul3A_687 = arith.muli %scan3A_685, %mul3A_686 : i32
        %add3A_688 = arith.addi %add3A_158, %mul3A_687 : i32
        %broadcast_in_dim3A_689 = vector.broadcast %add3A_688 : i32 to vector<16xi32>
        %add3A_690 = arith.addi %broadcast_in_dim3A_689, %add3A_17 : vector<16xi32>
        %mul3A_691 = arith.constant 16 : i32
        %mul3A_692 = arith.muli %scan3A_685, %mul3A_691 : i32
        %add3A_693 = arith.constant 1024 : i32
        %add3A_694 = arith.addi %add3A_693, %mul3A_692 : i32
        %swap3A_695 = arith.index_cast %add3A_694 : i32 to index
        %swap3A_696 = tpu.vector_load %arg6[%swap3A_695] {strides = array<i32>} : memref<2048xi32, #tpu.memory_space<vmem>>, vector<16xi32>,
        %swap3A_697 = vector.shape_cast %swap3A_696 : vector<16xi32> to vector<16xi32>
        %swap3A_698 = vector.shape_cast %add3A_690 : vector<16xi32> to vector<16xi32>
        tpu.vector_store %arg6[%swap3A_695], %swap3A_698 {strides = array<i32>} : memref<2048xi32, #tpu.memory_space<vmem>>, vector<16xi32>,
        %scan3A_699 = arith.constant 0 : i32
        %scan3A_700 = arith.constant 6 : i32
        %scan3A_701 = arith.addi %scan3A_604, %scan3A_700 : i32
        %mul3A_702 = arith.constant 16384 : i32
        %mul3A_703 = arith.muli %scan3A_701, %mul3A_702 : i32
        %add3A_704 = arith.addi %add3A_158, %mul3A_703 : i32
        %broadcast_in_dim3A_705 = vector.broadcast %add3A_704 : i32 to vector<16xi32>
        %add3A_706 = arith.addi %broadcast_in_dim3A_705, %add3A_17 : vector<16xi32>
        %mul3A_707 = arith.constant 16 : i32
        %mul3A_708 = arith.muli %scan3A_701, %mul3A_707 : i32
        %add3A_709 = arith.constant 1024 : i32
        %add3A_710 = arith.addi %add3A_709, %mul3A_708 : i32
        %swap3A_711 = arith.index_cast %add3A_710 : i32 to index
        %swap3A_712 = tpu.vector_load %arg6[%swap3A_711] {strides = array<i32>} : memref<2048xi32, #tpu.memory_space<vmem>>, vector<16xi32>,
        %swap3A_713 = vector.shape_cast %swap3A_712 : vector<16xi32> to vector<16xi32>
        %swap3A_714 = vector.shape_cast %add3A_706 : vector<16xi32> to vector<16xi32>
        tpu.vector_store %arg6[%swap3A_711], %swap3A_714 {strides = array<i32>} : memref<2048xi32, #tpu.memory_space<vmem>>, vector<16xi32>,
        %scan3A_715 = arith.constant 0 : i32
        %scan3A_716 = arith.constant 7 : i32
        %scan3A_717 = arith.addi %scan3A_604, %scan3A_716 : i32
        %mul3A_718 = arith.constant 16384 : i32
        %mul3A_719 = arith.muli %scan3A_717, %mul3A_718 : i32
        %add3A_720 = arith.addi %add3A_158, %mul3A_719 : i32
        %broadcast_in_dim3A_721 = vector.broadcast %add3A_720 : i32 to vector<16xi32>
        %add3A_722 = arith.addi %broadcast_in_dim3A_721, %add3A_17 : vector<16xi32>
        %mul3A_723 = arith.constant 16 : i32
        %mul3A_724 = arith.muli %scan3A_717, %mul3A_723 : i32
        %add3A_725 = arith.constant 1024 : i32
        %add3A_726 = arith.addi %add3A_725, %mul3A_724 : i32
        %swap3A_727 = arith.index_cast %add3A_726 : i32 to index
        %swap3A_728 = tpu.vector_load %arg6[%swap3A_727] {strides = array<i32>} : memref<2048xi32, #tpu.memory_space<vmem>>, vector<16xi32>,
        %swap3A_729 = vector.shape_cast %swap3A_728 : vector<16xi32> to vector<16xi32>
        %swap3A_730 = vector.shape_cast %add3A_722 : vector<16xi32> to vector<16xi32>
        tpu.vector_store %arg6[%swap3A_727], %swap3A_730 {strides = array<i32>} : memref<2048xi32, #tpu.memory_space<vmem>>, vector<16xi32>,
        %scan3A_731 = arith.constant 0 : i32
        scf.yield %scan3A_731 : i32
      }
      %scan3A_165 = arith.constant 56 : i32
      %scan3A_166 = arith.addi %scan3A_160, %scan3A_165 : i32
      %mul3A_167 = arith.constant 16384 : i32
      %mul3A_168 = arith.muli %scan3A_166, %mul3A_167 : i32
      %add3A_169 = arith.addi %add3A_158, %mul3A_168 : i32
      %broadcast_in_dim3A_170 = vector.broadcast %add3A_169 : i32 to vector<16xi32>
      %add3A_171 = arith.addi %broadcast_in_dim3A_170, %add3A_17 : vector<16xi32>
      %mul3A_172 = arith.constant 16 : i32
      %mul3A_173 = arith.muli %scan3A_166, %mul3A_172 : i32
      %add3A_174 = arith.constant 1024 : i32
      %add3A_175 = arith.addi %add3A_174, %mul3A_173 : i32
      %swap3A_176 = arith.index_cast %add3A_175 : i32 to index
      %swap3A_177 = tpu.vector_load %arg6[%swap3A_176] {strides = array<i32>} : memref<2048xi32, #tpu.memory_space<vmem>>, vector<16xi32>,
      %swap3A_178 = vector.shape_cast %swap3A_177 : vector<16xi32> to vector<16xi32>
      %swap3A_179 = vector.shape_cast %add3A_171 : vector<16xi32> to vector<16xi32>
      tpu.vector_store %arg6[%swap3A_176], %swap3A_179 {strides = array<i32>} : memref<2048xi32, #tpu.memory_space<vmem>>, vector<16xi32>,
      %scan3A_180 = arith.constant 0 : i32
      %scan3A_181 = arith.constant 57 : i32
      %scan3A_182 = arith.addi %scan3A_160, %scan3A_181 : i32
      %mul3A_183 = arith.constant 16384 : i32
      %mul3A_184 = arith.muli %scan3A_182, %mul3A_183 : i32
      %add3A_185 = arith.addi %add3A_158, %mul3A_184 : i32
      %broadcast_in_dim3A_186 = vector.broadcast %add3A_185 : i32 to vector<16xi32>
      %add3A_187 = arith.addi %broadcast_in_dim3A_186, %add3A_17 : vector<16xi32>
      %mul3A_188 = arith.constant 16 : i32
      %mul3A_189 = arith.muli %scan3A_182, %mul3A_188 : i32
      %add3A_190 = arith.constant 1024 : i32
      %add3A_191 = arith.addi %add3A_190, %mul3A_189 : i32
      %swap3A_192 = arith.index_cast %add3A_191 : i32 to index
      %swap3A_193 = tpu.vector_load %arg6[%swap3A_192] {strides = array<i32>} : memref<2048xi32, #tpu.memory_space<vmem>>, vector<16xi32>,
      %swap3A_194 = vector.shape_cast %swap3A_193 : vector<16xi32> to vector<16xi32>
      %swap3A_195 = vector.shape_cast %add3A_187 : vector<16xi32> to vector<16xi32>
      tpu.vector_store %arg6[%swap3A_192], %swap3A_195 {strides = array<i32>} : memref<2048xi32, #tpu.memory_space<vmem>>, vector<16xi32>,
      %scan3A_196 = arith.constant 0 : i32
      %scan3A_197 = arith.constant 58 : i32
      %scan3A_198 = arith.addi %scan3A_160, %scan3A_197 : i32
      %mul3A_199 = arith.constant 16384 : i32
      %mul3A_200 = arith.muli %scan3A_198, %mul3A_199 : i32
      %add3A_201 = arith.addi %add3A_158, %mul3A_200 : i32
      %broadcast_in_dim3A_202 = vector.broadcast %add3A_201 : i32 to vector<16xi32>
      %add3A_203 = arith.addi %broadcast_in_dim3A_202, %add3A_17 : vector<16xi32>
      %mul3A_204 = arith.constant 16 : i32
      %mul3A_205 = arith.muli %scan3A_198, %mul3A_204 : i32
      %add3A_206 = arith.constant 1024 : i32
      %add3A_207 = arith.addi %add3A_206, %mul3A_205 : i32
      %swap3A_208 = arith.index_cast %add3A_207 : i32 to index
      %swap3A_209 = tpu.vector_load %arg6[%swap3A_208] {strides = array<i32>} : memref<2048xi32, #tpu.memory_space<vmem>>, vector<16xi32>,
      %swap3A_210 = vector.shape_cast %swap3A_209 : vector<16xi32> to vector<16xi32>
      %swap3A_211 = vector.shape_cast %add3A_203 : vector<16xi32> to vector<16xi32>
      tpu.vector_store %arg6[%swap3A_208], %swap3A_211 {strides = array<i32>} : memref<2048xi32, #tpu.memory_space<vmem>>, vector<16xi32>,
      %scan3A_212 = arith.constant 0 : i32
      %scan3A_213 = arith.constant 59 : i32
      %scan3A_214 = arith.addi %scan3A_160, %scan3A_213 : i32
      %mul3A_215 = arith.constant 16384 : i32
      %mul3A_216 = arith.muli %scan3A_214, %mul3A_215 : i32
      %add3A_217 = arith.addi %add3A_158, %mul3A_216 : i32
      %broadcast_in_dim3A_218 = vector.broadcast %add3A_217 : i32 to vector<16xi32>
      %add3A_219 = arith.addi %broadcast_in_dim3A_218, %add3A_17 : vector<16xi32>
      %mul3A_220 = arith.constant 16 : i32
      %mul3A_221 = arith.muli %scan3A_214, %mul3A_220 : i32
      %add3A_222 = arith.constant 1024 : i32
      %add3A_223 = arith.addi %add3A_222, %mul3A_221 : i32
      %swap3A_224 = arith.index_cast %add3A_223 : i32 to index
      %swap3A_225 = tpu.vector_load %arg6[%swap3A_224] {strides = array<i32>} : memref<2048xi32, #tpu.memory_space<vmem>>, vector<16xi32>,
      %swap3A_226 = vector.shape_cast %swap3A_225 : vector<16xi32> to vector<16xi32>
      %swap3A_227 = vector.shape_cast %add3A_219 : vector<16xi32> to vector<16xi32>
      tpu.vector_store %arg6[%swap3A_224], %swap3A_227 {strides = array<i32>} : memref<2048xi32, #tpu.memory_space<vmem>>, vector<16xi32>,
      %scan3A_228 = arith.constant 0 : i32
      %scan3A_229 = arith.constant 60 : i32
      %scan3A_230 = arith.addi %scan3A_160, %scan3A_229 : i32
      %mul3A_231 = arith.constant 16384 : i32
      %mul3A_232 = arith.muli %scan3A_230, %mul3A_231 : i32
      %add3A_233 = arith.addi %add3A_158, %mul3A_232 : i32
      %broadcast_in_dim3A_234 = vector.broadcast %add3A_233 : i32 to vector<16xi32>
      %add3A_235 = arith.addi %broadcast_in_dim3A_234, %add3A_17 : vector<16xi32>
      %mul3A_236 = arith.constant 16 : i32
      %mul3A_237 = arith.muli %scan3A_230, %mul3A_236 : i32
      %add3A_238 = arith.constant 1024 : i32
      %add3A_239 = arith.addi %add3A_238, %mul3A_237 : i32
      %swap3A_240 = arith.index_cast %add3A_239 : i32 to index
      %swap3A_241 = tpu.vector_load %arg6[%swap3A_240] {strides = array<i32>} : memref<2048xi32, #tpu.memory_space<vmem>>, vector<16xi32>,
      %swap3A_242 = vector.shape_cast %swap3A_241 : vector<16xi32> to vector<16xi32>
      %swap3A_243 = vector.shape_cast %add3A_235 : vector<16xi32> to vector<16xi32>
      tpu.vector_store %arg6[%swap3A_240], %swap3A_243 {strides = array<i32>} : memref<2048xi32, #tpu.memory_space<vmem>>, vector<16xi32>,
      %scan3A_244 = arith.constant 0 : i32
      %scan3A_245 = arith.constant 61 : i32
      %scan3A_246 = arith.addi %scan3A_160, %scan3A_245 : i32
      %mul3A_247 = arith.constant 16384 : i32
      %mul3A_248 = arith.muli %scan3A_246, %mul3A_247 : i32
      %add3A_249 = arith.addi %add3A_158, %mul3A_248 : i32
      %broadcast_in_dim3A_250 = vector.broadcast %add3A_249 : i32 to vector<16xi32>
      %add3A_251 = arith.addi %broadcast_in_dim3A_250, %add3A_17 : vector<16xi32>
      %mul3A_252 = arith.constant 16 : i32
      %mul3A_253 = arith.muli %scan3A_246, %mul3A_252 : i32
      %add3A_254 = arith.constant 1024 : i32
      %add3A_255 = arith.addi %add3A_254, %mul3A_253 : i32
      %swap3A_256 = arith.index_cast %add3A_255 : i32 to index
      %swap3A_257 = tpu.vector_load %arg6[%swap3A_256] {strides = array<i32>} : memref<2048xi32, #tpu.memory_space<vmem>>, vector<16xi32>,
      %swap3A_258 = vector.shape_cast %swap3A_257 : vector<16xi32> to vector<16xi32>
      %swap3A_259 = vector.shape_cast %add3A_251 : vector<16xi32> to vector<16xi32>
      tpu.vector_store %arg6[%swap3A_256], %swap3A_259 {strides = array<i32>} : memref<2048xi32, #tpu.memory_space<vmem>>, vector<16xi32>,
      %scan3A_260 = arith.constant 0 : i32
      %scan3A_261 = arith.constant 62 : i32
      %add3A_262 = arith.constant 1015808 : i32
      %add3A_263 = arith.addi %add3A_158, %add3A_262 : i32
      %broadcast_in_dim3A_264 = vector.broadcast %add3A_263 : i32 to vector<16xi32>
      %add3A_265 = arith.addi %broadcast_in_dim3A_264, %add3A_17 : vector<16xi32>
      %lt3A_266 = arith.constant 8 : i32
      %lt3A_267 = vector.broadcast %lt3A_266 : i32 to vector<16xi32>
      %lt3A_268 = arith.cmpi slt, %iota3A, %lt3A_267 : vector<16xi32>
      %broadcast_in_dim3A_269 = vector.broadcast %add3A_158 : i32 to vector<16xi32>
      %select_n3A_270 = arith.select %lt3A_268, %add3A_265, %broadcast_in_dim3A_269 : vector<16xi1>, vector<16xi32>
      %swap3A_271 = arith.constant 2016 : index
      %swap3A_272 = tpu.vector_load %arg6[%swap3A_271] {strides = array<i32>} : memref<2048xi32, #tpu.memory_space<vmem>>, vector<16xi32>,
      %swap3A_273 = vector.shape_cast %swap3A_272 : vector<16xi32> to vector<16xi32>
      %swap3A_274 = vector.shape_cast %select_n3A_270 : vector<16xi32> to vector<16xi32>
      tpu.vector_store %arg6[%swap3A_271], %swap3A_274 {strides = array<i32>} : memref<2048xi32, #tpu.memory_space<vmem>>, vector<16xi32>,
      %broadcast_in_dim3A_275 = vector.broadcast %add3A_158 : i32 to vector<16xi32>
      %swap3A_276 = arith.constant 2032 : index
      %swap3A_277 = tpu.vector_load %arg6[%swap3A_276] {strides = array<i32>} : memref<2048xi32, #tpu.memory_space<vmem>>, vector<16xi32>,
      %swap3A_278 = vector.shape_cast %swap3A_277 : vector<16xi32> to vector<16xi32>
      %swap3A_279 = vector.shape_cast %broadcast_in_dim3A_275 : vector<16xi32> to vector<16xi32>
      tpu.vector_store %arg6[%swap3A_276], %swap3A_279 {strides = array<i32>} : memref<2048xi32, #tpu.memory_space<vmem>>, vector<16xi32>,
      %dma_start3A_280 = arith.constant 1024 : i32
      %dma_start3A_281 = tpu.memref_slice %arg7[%dma_start3A_280] : memref<2048xf32, #tpu.memory_space<vmem>> -> memref<1024xf32, #tpu.memory_space<vmem>>
      %dma_start3A_282 = arith.constant 1024 : i32
      %dma_start3A_283 = tpu.memref_slice %arg6[%dma_start3A_282] : memref<2048xi32, #tpu.memory_space<vmem>> -> memref<1024xi32, #tpu.memory_space<vmem>>
      %dma_start3A_284 = arith.constant 0 : i32
      %dma_start3A_285 = tpu.memref_slice %arg2[%dma_start3A_284] : memref<51200000xf32, #tpu.memory_space<hbm>> -> memref<51200000xf32, #tpu.memory_space<hbm>>
      tpu.enqueue_indirect_dma source(%dma_start3A_285 : memref<51200000xf32, #tpu.memory_space<hbm>>) target(%dma_start3A_281 : memref<1024xf32, #tpu.memory_space<vmem>>) offsets(%dma_start3A_283 : memref<1024xi32, #tpu.memory_space<vmem>>) semaphore(%arg8 : memref<!tpu.dma_semaphore, #tpu.memory_space<semaphore_mem>>)
      %dma_wait3A = arith.constant 0 : i32
      %dma_wait3A_286 = tpu.memref_slice %arg7[%dma_wait3A] : memref<2048xf32, #tpu.memory_space<vmem>> -> memref<1024xf32, #tpu.memory_space<vmem>>
      %dma_wait3A_287 = arith.constant 0 : i32
      %dma_wait3A_288 = tpu.memref_slice %arg6[%dma_wait3A_287] : memref<2048xi32, #tpu.memory_space<vmem>> -> memref<1024xi32, #tpu.memory_space<vmem>>
      %dma_wait3A_289 = arith.constant 0 : i32
      %dma_wait3A_290 = tpu.memref_slice %arg2[%dma_wait3A_289] : memref<51200000xf32, #tpu.memory_space<hbm>> -> memref<51200000xf32, #tpu.memory_space<hbm>>
      tpu.wait_indirect_dma semaphore(%arg8 : memref<!tpu.dma_semaphore, #tpu.memory_space<semaphore_mem>>) src(%dma_wait3A_290 : memref<51200000xf32, #tpu.memory_space<hbm>>) dst(%dma_wait3A_286 : memref<1024xf32, #tpu.memory_space<vmem>>)
      %get3A_291 = arith.constant 992 : index
      %get3A_292 = tpu.vector_load %arg7[%get3A_291] {strides = array<i32>} : memref<2048xf32, #tpu.memory_space<vmem>>, vector<16xf32>,
      %get3A_293 = vector.shape_cast %get3A_292 : vector<16xf32> to vector<16xf32>
      %lt3A_294 = arith.constant 8 : i32
      %lt3A_295 = vector.broadcast %lt3A_294 : i32 to vector<16xi32>
      %lt3A_296 = arith.cmpi slt, %iota3A, %lt3A_295 : vector<16xi32>
      %select_n3A_297 = arith.select %lt3A_296, %get3A_293, %broadcast_in_dim3A_25 : vector<16xi1>, vector<16xf32>
      %swap3A_298 = arith.constant 992 : index
      %swap3A_299 = tpu.vector_load %arg7[%swap3A_298] {strides = array<i32>} : memref<2048xf32, #tpu.memory_space<vmem>>, vector<16xf32>,
      %swap3A_300 = vector.shape_cast %swap3A_299 : vector<16xf32> to vector<16xf32>
      %swap3A_301 = vector.shape_cast %select_n3A_297 : vector<16xf32> to vector<16xf32>
      tpu.vector_store %arg7[%swap3A_298], %swap3A_301 {strides = array<i32>} : memref<2048xf32, #tpu.memory_space<vmem>>, vector<16xf32>,
      %swap3A_302 = arith.constant 1008 : index
      %swap3A_303 = tpu.vector_load %arg7[%swap3A_302] {strides = array<i32>} : memref<2048xf32, #tpu.memory_space<vmem>>, vector<16xf32>,
      %swap3A_304 = vector.shape_cast %swap3A_303 : vector<16xf32> to vector<16xf32>
      %swap3A_305 = vector.shape_cast %broadcast_in_dim3A_25 : vector<16xf32> to vector<16xf32>
      tpu.vector_store %arg7[%swap3A_302], %swap3A_305 {strides = array<i32>} : memref<2048xf32, #tpu.memory_space<vmem>>, vector<16xf32>,
      %scan3A_306 = arith.constant 0 : i32
      %scan3A_307 = arith.constant 64 : i32
      %scan3A_308 = arith.addi %scan3A_306, %scan3A_307 : i32
      %scan3A_309 = arith.constant 8 : i32
      %scan3A_310 = scf.for %scan3A_604 = %scan3A_306 to %scan3A_308 step %scan3A_309 iter_args(%scan3A_605 = %broadcast_in_dim3A_25) -> (vector<16xf32>)  : i32 {
        %mul3A_606 = arith.constant 16 : i32
        %mul3A_607 = arith.muli %scan3A_604, %mul3A_606 : i32
        %add3A_608 = arith.constant 0 : i32
        %add3A_609 = arith.addi %add3A_608, %mul3A_607 : i32
        %get3A_610 = arith.index_cast %add3A_609 : i32 to index
        %get3A_611 = tpu.vector_load %arg7[%get3A_610] {strides = array<i32>} : memref<2048xf32, #tpu.memory_space<vmem>>, vector<16xf32>,
        %get3A_612 = vector.shape_cast %get3A_611 : vector<16xf32> to vector<16xf32>
        %max3A_613 = arith.maximumf %scan3A_605, %get3A_612 : vector<16xf32>
        %scan3A_614 = arith.constant 1 : i32
        %scan3A_615 = arith.addi %scan3A_604, %scan3A_614 : i32
        %mul3A_616 = arith.constant 16 : i32
        %mul3A_617 = arith.muli %scan3A_615, %mul3A_616 : i32
        %add3A_618 = arith.constant 0 : i32
        %add3A_619 = arith.addi %add3A_618, %mul3A_617 : i32
        %get3A_620 = arith.index_cast %add3A_619 : i32 to index
        %get3A_621 = tpu.vector_load %arg7[%get3A_620] {strides = array<i32>} : memref<2048xf32, #tpu.memory_space<vmem>>, vector<16xf32>,
        %get3A_622 = vector.shape_cast %get3A_621 : vector<16xf32> to vector<16xf32>
        %max3A_623 = arith.maximumf %max3A_613, %get3A_622 : vector<16xf32>
        %scan3A_624 = arith.constant 2 : i32
        %scan3A_625 = arith.addi %scan3A_604, %scan3A_624 : i32
        %mul3A_626 = arith.constant 16 : i32
        %mul3A_627 = arith.muli %scan3A_625, %mul3A_626 : i32
        %add3A_628 = arith.constant 0 : i32
        %add3A_629 = arith.addi %add3A_628, %mul3A_627 : i32
        %get3A_630 = arith.index_cast %add3A_629 : i32 to index
        %get3A_631 = tpu.vector_load %arg7[%get3A_630] {strides = array<i32>} : memref<2048xf32, #tpu.memory_space<vmem>>, vector<16xf32>,
        %get3A_632 = vector.shape_cast %get3A_631 : vector<16xf32> to vector<16xf32>
        %max3A_633 = arith.maximumf %max3A_623, %get3A_632 : vector<16xf32>
        %scan3A_634 = arith.constant 3 : i32
        %scan3A_635 = arith.addi %scan3A_604, %scan3A_634 : i32
        %mul3A_636 = arith.constant 16 : i32
        %mul3A_637 = arith.muli %scan3A_635, %mul3A_636 : i32
        %add3A_638 = arith.constant 0 : i32
        %add3A_639 = arith.addi %add3A_638, %mul3A_637 : i32
        %get3A_640 = arith.index_cast %add3A_639 : i32 to index
        %get3A_641 = tpu.vector_load %arg7[%get3A_640] {strides = array<i32>} : memref<2048xf32, #tpu.memory_space<vmem>>, vector<16xf32>,
        %get3A_642 = vector.shape_cast %get3A_641 : vector<16xf32> to vector<16xf32>
        %max3A_643 = arith.maximumf %max3A_633, %get3A_642 : vector<16xf32>
        %scan3A_644 = arith.constant 4 : i32
        %scan3A_645 = arith.addi %scan3A_604, %scan3A_644 : i32
        %mul3A_646 = arith.constant 16 : i32
        %mul3A_647 = arith.muli %scan3A_645, %mul3A_646 : i32
        %add3A_648 = arith.constant 0 : i32
        %add3A_649 = arith.addi %add3A_648, %mul3A_647 : i32
        %get3A_650 = arith.index_cast %add3A_649 : i32 to index
        %get3A_651 = tpu.vector_load %arg7[%get3A_650] {strides = array<i32>} : memref<2048xf32, #tpu.memory_space<vmem>>, vector<16xf32>,
        %get3A_652 = vector.shape_cast %get3A_651 : vector<16xf32> to vector<16xf32>
        %max3A_653 = arith.maximumf %max3A_643, %get3A_652 : vector<16xf32>
        %scan3A_654 = arith.constant 5 : i32
        %scan3A_655 = arith.addi %scan3A_604, %scan3A_654 : i32
        %mul3A_656 = arith.constant 16 : i32
        %mul3A_657 = arith.muli %scan3A_655, %mul3A_656 : i32
        %add3A_658 = arith.constant 0 : i32
        %add3A_659 = arith.addi %add3A_658, %mul3A_657 : i32
        %get3A_660 = arith.index_cast %add3A_659 : i32 to index
        %get3A_661 = tpu.vector_load %arg7[%get3A_660] {strides = array<i32>} : memref<2048xf32, #tpu.memory_space<vmem>>, vector<16xf32>,
        %get3A_662 = vector.shape_cast %get3A_661 : vector<16xf32> to vector<16xf32>
        %max3A_663 = arith.maximumf %max3A_653, %get3A_662 : vector<16xf32>
        %scan3A_664 = arith.constant 6 : i32
        %scan3A_665 = arith.addi %scan3A_604, %scan3A_664 : i32
        %mul3A_666 = arith.constant 16 : i32
        %mul3A_667 = arith.muli %scan3A_665, %mul3A_666 : i32
        %add3A_668 = arith.constant 0 : i32
        %add3A_669 = arith.addi %add3A_668, %mul3A_667 : i32
        %get3A_670 = arith.index_cast %add3A_669 : i32 to index
        %get3A_671 = tpu.vector_load %arg7[%get3A_670] {strides = array<i32>} : memref<2048xf32, #tpu.memory_space<vmem>>, vector<16xf32>,
        %get3A_672 = vector.shape_cast %get3A_671 : vector<16xf32> to vector<16xf32>
        %max3A_673 = arith.maximumf %max3A_663, %get3A_672 : vector<16xf32>
        %scan3A_674 = arith.constant 7 : i32
        %scan3A_675 = arith.addi %scan3A_604, %scan3A_674 : i32
        %mul3A_676 = arith.constant 16 : i32
        %mul3A_677 = arith.muli %scan3A_675, %mul3A_676 : i32
        %add3A_678 = arith.constant 0 : i32
        %add3A_679 = arith.addi %add3A_678, %mul3A_677 : i32
        %get3A_680 = arith.index_cast %add3A_679 : i32 to index
        %get3A_681 = tpu.vector_load %arg7[%get3A_680] {strides = array<i32>} : memref<2048xf32, #tpu.memory_space<vmem>>, vector<16xf32>,
        %get3A_682 = vector.shape_cast %get3A_681 : vector<16xf32> to vector<16xf32>
        %max3A_683 = arith.maximumf %max3A_673, %get3A_682 : vector<16xf32>
        scf.yield %max3A_683 : vector<16xf32>
      }
      %scan3A_311 = arith.constant 64 : i32
      %iota3A_312 = tpu.iota {dimensions = array<i32: 0>} : vector<16xi32>
      %xor3A = arith.constant 1 : i32
      %xor3A_313 = vector.broadcast %xor3A : i32 to vector<16xi32>
      %xor3A_314 = arith.xori %iota3A_312, %xor3A_313 : vector<16xi32>
      %reshape3A = vector.shape_cast %xor3A_314 : vector<16xi32> to vector<16x1xi32>
      %gather3A = vector.shape_cast %reshape3A : vector<16x1xi32> to vector<16xi32>
      %gather3A_315 = tpu.dynamic_gather %scan3A_310[%gather3A] in [0] : vector<16xf32>, vector<16xi32> -> vector<16xf32>
      %max3A = arith.maximumf %scan3A_310, %gather3A_315 : vector<16xf32>
      %iota3A_316 = tpu.iota {dimensions = array<i32: 0>} : vector<16xi32>
      %xor3A_317 = arith.constant 2 : i32
      %xor3A_318 = vector.broadcast %xor3A_317 : i32 to vector<16xi32>
      %xor3A_319 = arith.xori %iota3A_316, %xor3A_318 : vector<16xi32>
      %reshape3A_320 = vector.shape_cast %xor3A_319 : vector<16xi32> to vector<16x1xi32>
      %gather3A_321 = vector.shape_cast %reshape3A_320 : vector<16x1xi32> to vector<16xi32>
      %gather3A_322 = tpu.dynamic_gather %max3A[%gather3A_321] in [0] : vector<16xf32>, vector<16xi32> -> vector<16xf32>
      %max3A_323 = arith.maximumf %max3A, %gather3A_322 : vector<16xf32>
      %iota3A_324 = tpu.iota {dimensions = array<i32: 0>} : vector<16xi32>
      %xor3A_325 = arith.constant 4 : i32
      %xor3A_326 = vector.broadcast %xor3A_325 : i32 to vector<16xi32>
      %xor3A_327 = arith.xori %iota3A_324, %xor3A_326 : vector<16xi32>
      %reshape3A_328 = vector.shape_cast %xor3A_327 : vector<16xi32> to vector<16x1xi32>
      %gather3A_329 = vector.shape_cast %reshape3A_328 : vector<16x1xi32> to vector<16xi32>
      %gather3A_330 = tpu.dynamic_gather %max3A_323[%gather3A_329] in [0] : vector<16xf32>, vector<16xi32> -> vector<16xf32>
      %max3A_331 = arith.maximumf %max3A_323, %gather3A_330 : vector<16xf32>
      %iota3A_332 = tpu.iota {dimensions = array<i32: 0>} : vector<16xi32>
      %xor3A_333 = arith.constant 8 : i32
      %xor3A_334 = vector.broadcast %xor3A_333 : i32 to vector<16xi32>
      %xor3A_335 = arith.xori %iota3A_332, %xor3A_334 : vector<16xi32>
      %reshape3A_336 = vector.shape_cast %xor3A_335 : vector<16xi32> to vector<16x1xi32>
      %gather3A_337 = vector.shape_cast %reshape3A_336 : vector<16x1xi32> to vector<16xi32>
      %gather3A_338 = tpu.dynamic_gather %max3A_331[%gather3A_337] in [0] : vector<16xf32>, vector<16xi32> -> vector<16xf32>
      %max3A_339 = arith.maximumf %max3A_331, %gather3A_338 : vector<16xf32>
      %broadcast_in_dim3A_340 = arith.constant 0.000000e+00 : f32
      %broadcast_in_dim3A_341 = vector.broadcast %broadcast_in_dim3A_340 : f32 to vector<16xf32>
      %scan3A_342 = arith.constant 0 : i32
      %scan3A_343 = arith.constant 64 : i32
      %scan3A_344 = arith.addi %scan3A_342, %scan3A_343 : i32
      %scan3A_345 = arith.constant 8 : i32
      %scan3A_346 = scf.for %scan3A_604 = %scan3A_342 to %scan3A_344 step %scan3A_345 iter_args(%scan3A_605 = %broadcast_in_dim3A_341) -> (vector<16xf32>)  : i32 {
        %mul3A_606 = arith.constant 16 : i32
        %mul3A_607 = arith.muli %scan3A_604, %mul3A_606 : i32
        %add3A_608 = arith.constant 0 : i32
        %add3A_609 = arith.addi %add3A_608, %mul3A_607 : i32
        %get3A_610 = arith.index_cast %add3A_609 : i32 to index
        %get3A_611 = tpu.vector_load %arg7[%get3A_610] {strides = array<i32>} : memref<2048xf32, #tpu.memory_space<vmem>>, vector<16xf32>,
        %get3A_612 = vector.shape_cast %get3A_611 : vector<16xf32> to vector<16xf32>
        %sub3A_613 = arith.subf %get3A_612, %max3A_339 : vector<16xf32>
        %exp3A = math.exp %sub3A_613 : vector<16xf32>
        %add3A_614 = arith.addf %scan3A_605, %exp3A : vector<16xf32>
        %scan3A_615 = arith.constant 1 : i32
        %scan3A_616 = arith.addi %scan3A_604, %scan3A_615 : i32
        %mul3A_617 = arith.constant 16 : i32
        %mul3A_618 = arith.muli %scan3A_616, %mul3A_617 : i32
        %add3A_619 = arith.constant 0 : i32
        %add3A_620 = arith.addi %add3A_619, %mul3A_618 : i32
        %get3A_621 = arith.index_cast %add3A_620 : i32 to index
        %get3A_622 = tpu.vector_load %arg7[%get3A_621] {strides = array<i32>} : memref<2048xf32, #tpu.memory_space<vmem>>, vector<16xf32>,
        %get3A_623 = vector.shape_cast %get3A_622 : vector<16xf32> to vector<16xf32>
        %sub3A_624 = arith.subf %get3A_623, %max3A_339 : vector<16xf32>
        %exp3A_625 = math.exp %sub3A_624 : vector<16xf32>
        %add3A_626 = arith.addf %add3A_614, %exp3A_625 : vector<16xf32>
        %scan3A_627 = arith.constant 2 : i32
        %scan3A_628 = arith.addi %scan3A_604, %scan3A_627 : i32
        %mul3A_629 = arith.constant 16 : i32
        %mul3A_630 = arith.muli %scan3A_628, %mul3A_629 : i32
        %add3A_631 = arith.constant 0 : i32
        %add3A_632 = arith.addi %add3A_631, %mul3A_630 : i32
        %get3A_633 = arith.index_cast %add3A_632 : i32 to index
        %get3A_634 = tpu.vector_load %arg7[%get3A_633] {strides = array<i32>} : memref<2048xf32, #tpu.memory_space<vmem>>, vector<16xf32>,
        %get3A_635 = vector.shape_cast %get3A_634 : vector<16xf32> to vector<16xf32>
        %sub3A_636 = arith.subf %get3A_635, %max3A_339 : vector<16xf32>
        %exp3A_637 = math.exp %sub3A_636 : vector<16xf32>
        %add3A_638 = arith.addf %add3A_626, %exp3A_637 : vector<16xf32>
        %scan3A_639 = arith.constant 3 : i32
        %scan3A_640 = arith.addi %scan3A_604, %scan3A_639 : i32
        %mul3A_641 = arith.constant 16 : i32
        %mul3A_642 = arith.muli %scan3A_640, %mul3A_641 : i32
        %add3A_643 = arith.constant 0 : i32
        %add3A_644 = arith.addi %add3A_643, %mul3A_642 : i32
        %get3A_645 = arith.index_cast %add3A_644 : i32 to index
        %get3A_646 = tpu.vector_load %arg7[%get3A_645] {strides = array<i32>} : memref<2048xf32, #tpu.memory_space<vmem>>, vector<16xf32>,
        %get3A_647 = vector.shape_cast %get3A_646 : vector<16xf32> to vector<16xf32>
        %sub3A_648 = arith.subf %get3A_647, %max3A_339 : vector<16xf32>
        %exp3A_649 = math.exp %sub3A_648 : vector<16xf32>
        %add3A_650 = arith.addf %add3A_638, %exp3A_649 : vector<16xf32>
        %scan3A_651 = arith.constant 4 : i32
        %scan3A_652 = arith.addi %scan3A_604, %scan3A_651 : i32
        %mul3A_653 = arith.constant 16 : i32
        %mul3A_654 = arith.muli %scan3A_652, %mul3A_653 : i32
        %add3A_655 = arith.constant 0 : i32
        %add3A_656 = arith.addi %add3A_655, %mul3A_654 : i32
        %get3A_657 = arith.index_cast %add3A_656 : i32 to index
        %get3A_658 = tpu.vector_load %arg7[%get3A_657] {strides = array<i32>} : memref<2048xf32, #tpu.memory_space<vmem>>, vector<16xf32>,
        %get3A_659 = vector.shape_cast %get3A_658 : vector<16xf32> to vector<16xf32>
        %sub3A_660 = arith.subf %get3A_659, %max3A_339 : vector<16xf32>
        %exp3A_661 = math.exp %sub3A_660 : vector<16xf32>
        %add3A_662 = arith.addf %add3A_650, %exp3A_661 : vector<16xf32>
        %scan3A_663 = arith.constant 5 : i32
        %scan3A_664 = arith.addi %scan3A_604, %scan3A_663 : i32
        %mul3A_665 = arith.constant 16 : i32
        %mul3A_666 = arith.muli %scan3A_664, %mul3A_665 : i32
        %add3A_667 = arith.constant 0 : i32
        %add3A_668 = arith.addi %add3A_667, %mul3A_666 : i32
        %get3A_669 = arith.index_cast %add3A_668 : i32 to index
        %get3A_670 = tpu.vector_load %arg7[%get3A_669] {strides = array<i32>} : memref<2048xf32, #tpu.memory_space<vmem>>, vector<16xf32>,
        %get3A_671 = vector.shape_cast %get3A_670 : vector<16xf32> to vector<16xf32>
        %sub3A_672 = arith.subf %get3A_671, %max3A_339 : vector<16xf32>
        %exp3A_673 = math.exp %sub3A_672 : vector<16xf32>
        %add3A_674 = arith.addf %add3A_662, %exp3A_673 : vector<16xf32>
        %scan3A_675 = arith.constant 6 : i32
        %scan3A_676 = arith.addi %scan3A_604, %scan3A_675 : i32
        %mul3A_677 = arith.constant 16 : i32
        %mul3A_678 = arith.muli %scan3A_676, %mul3A_677 : i32
        %add3A_679 = arith.constant 0 : i32
        %add3A_680 = arith.addi %add3A_679, %mul3A_678 : i32
        %get3A_681 = arith.index_cast %add3A_680 : i32 to index
        %get3A_682 = tpu.vector_load %arg7[%get3A_681] {strides = array<i32>} : memref<2048xf32, #tpu.memory_space<vmem>>, vector<16xf32>,
        %get3A_683 = vector.shape_cast %get3A_682 : vector<16xf32> to vector<16xf32>
        %sub3A_684 = arith.subf %get3A_683, %max3A_339 : vector<16xf32>
        %exp3A_685 = math.exp %sub3A_684 : vector<16xf32>
        %add3A_686 = arith.addf %add3A_674, %exp3A_685 : vector<16xf32>
        %scan3A_687 = arith.constant 7 : i32
        %scan3A_688 = arith.addi %scan3A_604, %scan3A_687 : i32
        %mul3A_689 = arith.constant 16 : i32
        %mul3A_690 = arith.muli %scan3A_688, %mul3A_689 : i32
        %add3A_691 = arith.constant 0 : i32
        %add3A_692 = arith.addi %add3A_691, %mul3A_690 : i32
        %get3A_693 = arith.index_cast %add3A_692 : i32 to index
        %get3A_694 = tpu.vector_load %arg7[%get3A_693] {strides = array<i32>} : memref<2048xf32, #tpu.memory_space<vmem>>, vector<16xf32>,
        %get3A_695 = vector.shape_cast %get3A_694 : vector<16xf32> to vector<16xf32>
        %sub3A_696 = arith.subf %get3A_695, %max3A_339 : vector<16xf32>
        %exp3A_697 = math.exp %sub3A_696 : vector<16xf32>
        %add3A_698 = arith.addf %add3A_686, %exp3A_697 : vector<16xf32>
        scf.yield %add3A_698 : vector<16xf32>
      }
      %scan3A_347 = arith.constant 64 : i32
      %iota3A_348 = tpu.iota {dimensions = array<i32: 0>} : vector<16xi32>
      %xor3A_349 = arith.constant 1 : i32
      %xor3A_350 = vector.broadcast %xor3A_349 : i32 to vector<16xi32>
      %xor3A_351 = arith.xori %iota3A_348, %xor3A_350 : vector<16xi32>
      %reshape3A_352 = vector.shape_cast %xor3A_351 : vector<16xi32> to vector<16x1xi32>
      %gather3A_353 = vector.shape_cast %reshape3A_352 : vector<16x1xi32> to vector<16xi32>
      %gather3A_354 = tpu.dynamic_gather %scan3A_346[%gather3A_353] in [0] : vector<16xf32>, vector<16xi32> -> vector<16xf32>
      %add3A_355 = arith.addf %scan3A_346, %gather3A_354 : vector<16xf32>
      %iota3A_356 = tpu.iota {dimensions = array<i32: 0>} : vector<16xi32>
      %xor3A_357 = arith.constant 2 : i32
      %xor3A_358 = vector.broadcast %xor3A_357 : i32 to vector<16xi32>
      %xor3A_359 = arith.xori %iota3A_356, %xor3A_358 : vector<16xi32>
      %reshape3A_360 = vector.shape_cast %xor3A_359 : vector<16xi32> to vector<16x1xi32>
      %gather3A_361 = vector.shape_cast %reshape3A_360 : vector<16x1xi32> to vector<16xi32>
      %gather3A_362 = tpu.dynamic_gather %add3A_355[%gather3A_361] in [0] : vector<16xf32>, vector<16xi32> -> vector<16xf32>
      %add3A_363 = arith.addf %add3A_355, %gather3A_362 : vector<16xf32>
      %iota3A_364 = tpu.iota {dimensions = array<i32: 0>} : vector<16xi32>
      %xor3A_365 = arith.constant 4 : i32
      %xor3A_366 = vector.broadcast %xor3A_365 : i32 to vector<16xi32>
      %xor3A_367 = arith.xori %iota3A_364, %xor3A_366 : vector<16xi32>
      %reshape3A_368 = vector.shape_cast %xor3A_367 : vector<16xi32> to vector<16x1xi32>
      %gather3A_369 = vector.shape_cast %reshape3A_368 : vector<16x1xi32> to vector<16xi32>
      %gather3A_370 = tpu.dynamic_gather %add3A_363[%gather3A_369] in [0] : vector<16xf32>, vector<16xi32> -> vector<16xf32>
      %add3A_371 = arith.addf %add3A_363, %gather3A_370 : vector<16xf32>
      %iota3A_372 = tpu.iota {dimensions = array<i32: 0>} : vector<16xi32>
      %xor3A_373 = arith.constant 8 : i32
      %xor3A_374 = vector.broadcast %xor3A_373 : i32 to vector<16xi32>
      %xor3A_375 = arith.xori %iota3A_372, %xor3A_374 : vector<16xi32>
      %reshape3A_376 = vector.shape_cast %xor3A_375 : vector<16xi32> to vector<16x1xi32>
      %gather3A_377 = vector.shape_cast %reshape3A_376 : vector<16x1xi32> to vector<16xi32>
      %gather3A_378 = tpu.dynamic_gather %add3A_371[%gather3A_377] in [0] : vector<16xf32>, vector<16xi32> -> vector<16xf32>
      %add3A_379 = arith.addf %add3A_371, %gather3A_378 : vector<16xf32>
      %bitcast_convert_type3A = tpu.bitcast %add3A_379 : vector<16xf32> -> vector<16xi32>
      %shift_right_logical3A_380 = arith.constant 23 : i32
      %shift_right_logical3A_381 = vector.broadcast %shift_right_logical3A_380 : i32 to vector<16xi32>
      %shift_right_logical3A_382 = arith.shrui %bitcast_convert_type3A, %shift_right_logical3A_381 : vector<16xi32>
      %sub3A = arith.constant 127 : i32
      %sub3A_383 = vector.broadcast %sub3A : i32 to vector<16xi32>
      %sub3A_384 = arith.subi %shift_right_logical3A_382, %sub3A_383 : vector<16xi32>
      %and3A_385 = arith.constant 8388607 : i32
      %and3A_386 = vector.broadcast %and3A_385 : i32 to vector<16xi32>
      %and3A_387 = arith.andi %bitcast_convert_type3A, %and3A_386 : vector<16xi32>
      %or3A = arith.constant 1065353216 : i32
      %or3A_388 = vector.broadcast %or3A : i32 to vector<16xi32>
      %or3A_389 = arith.ori %and3A_387, %or3A_388 : vector<16xi32>
      %bitcast_convert_type3A_390 = tpu.bitcast %or3A_389 : vector<16xi32> -> vector<16xf32>
      %gt3A = arith.constant 1.41421354 : f32
      %gt3A_391 = vector.broadcast %gt3A : f32 to vector<16xf32>
      %gt3A_392 = arith.cmpf ogt, %bitcast_convert_type3A_390, %gt3A_391 : vector<16xf32>
      %mul3A_393 = arith.constant 5.000000e-01 : f32
      %mul3A_394 = vector.broadcast %mul3A_393 : f32 to vector<16xf32>
      %mul3A_395 = arith.mulf %bitcast_convert_type3A_390, %mul3A_394 : vector<16xf32>
      %select_n3A_396 = arith.select %gt3A_392, %mul3A_395, %bitcast_convert_type3A_390 : vector<16xi1>, vector<16xf32>
      %add3A_397 = arith.constant 1 : i32
      %add3A_398 = vector.broadcast %add3A_397 : i32 to vector<16xi32>
      %add3A_399 = arith.addi %sub3A_384, %add3A_398 : vector<16xi32>
      %select_n3A_400 = arith.select %gt3A_392, %add3A_399, %sub3A_384 : vector<16xi1>, vector<16xi32>
      %sub3A_401 = arith.constant 1.000000e+00 : f32
      %sub3A_402 = vector.broadcast %sub3A_401 : f32 to vector<16xf32>
      %sub3A_403 = arith.subf %select_n3A_396, %sub3A_402 : vector<16xf32>
      %add3A_404 = arith.constant 1.000000e+00 : f32
      %add3A_405 = vector.broadcast %add3A_404 : f32 to vector<16xf32>
      %add3A_406 = arith.addf %select_n3A_396, %add3A_405 : vector<16xf32>
      %div3A = arith.divf %sub3A_403, %add3A_406 : vector<16xf32>
      %mul3A_407 = arith.mulf %div3A, %div3A : vector<16xf32>
      %mul3A_408 = arith.constant 0.285714298 : f32
      %mul3A_409 = vector.broadcast %mul3A_408 : f32 to vector<16xf32>
      %mul3A_410 = arith.mulf %mul3A_407, %mul3A_409 : vector<16xf32>
      %add3A_411 = arith.constant 4.000000e-01 : f32
      %add3A_412 = vector.broadcast %add3A_411 : f32 to vector<16xf32>
      %add3A_413 = arith.addf %add3A_412, %mul3A_410 : vector<16xf32>
      %mul3A_414 = arith.mulf %mul3A_407, %add3A_413 : vector<16xf32>
      %add3A_415 = arith.constant 0.666666686 : f32
      %add3A_416 = vector.broadcast %add3A_415 : f32 to vector<16xf32>
      %add3A_417 = arith.addf %add3A_416, %mul3A_414 : vector<16xf32>
      %mul3A_418 = arith.mulf %mul3A_407, %add3A_417 : vector<16xf32>
      %add3A_419 = arith.constant 2.000000e+00 : f32
      %add3A_420 = vector.broadcast %add3A_419 : f32 to vector<16xf32>
      %add3A_421 = arith.addf %add3A_420, %mul3A_418 : vector<16xf32>
      %mul3A_422 = arith.mulf %div3A, %add3A_421 : vector<16xf32>
      %convert_element_type3A_423 = arith.sitofp %select_n3A_400 : vector<16xi32> to vector<16xf32>
      %mul3A_424 = arith.constant 0.693147182 : f32
      %mul3A_425 = vector.broadcast %mul3A_424 : f32 to vector<16xf32>
      %mul3A_426 = arith.mulf %convert_element_type3A_423, %mul3A_425 : vector<16xf32>
      %add3A_427 = arith.addf %mul3A_426, %mul3A_422 : vector<16xf32>
      %add3A_428 = arith.addf %max3A_339, %add3A_427 : vector<16xf32>
      %scan3A_429 = arith.constant 0 : i32
      %scan3A_430 = arith.constant 0 : i32
      %scan3A_431 = arith.constant 64 : i32
      %scan3A_432 = arith.addi %scan3A_430, %scan3A_431 : i32
      %scan3A_433 = arith.constant 8 : i32
      %scan3A_434 = scf.for %scan3A_604 = %scan3A_430 to %scan3A_432 step %scan3A_433 iter_args(%scan3A_605 = %scan3A_429) -> (i32)  : i32 {
        %mul3A_606 = arith.constant 16 : i32
        %mul3A_607 = arith.muli %scan3A_604, %mul3A_606 : i32
        %add3A_608 = arith.constant 0 : i32
        %add3A_609 = arith.addi %add3A_608, %mul3A_607 : i32
        %get3A_610 = arith.index_cast %add3A_609 : i32 to index
        %get3A_611 = tpu.vector_load %arg7[%get3A_610] {strides = array<i32>} : memref<2048xf32, #tpu.memory_space<vmem>>, vector<16xf32>,
        %get3A_612 = vector.shape_cast %get3A_611 : vector<16xf32> to vector<16xf32>
        %sub3A_613 = arith.subf %get3A_612, %add3A_428 : vector<16xf32>
        %mul3A_614 = arith.constant 16 : i32
        %mul3A_615 = arith.muli %scan3A_604, %mul3A_614 : i32
        %add3A_616 = arith.constant 0 : i32
        %add3A_617 = arith.addi %add3A_616, %mul3A_615 : i32
        %swap3A_618 = arith.index_cast %add3A_617 : i32 to index
        %swap3A_619 = tpu.vector_load %arg7[%swap3A_618] {strides = array<i32>} : memref<2048xf32, #tpu.memory_space<vmem>>, vector<16xf32>,
        %swap3A_620 = vector.shape_cast %swap3A_619 : vector<16xf32> to vector<16xf32>
        %swap3A_621 = vector.shape_cast %sub3A_613 : vector<16xf32> to vector<16xf32>
        tpu.vector_store %arg7[%swap3A_618], %swap3A_621 {strides = array<i32>} : memref<2048xf32, #tpu.memory_space<vmem>>, vector<16xf32>,
        %scan3A_622 = arith.constant 0 : i32
        %scan3A_623 = arith.constant 1 : i32
        %scan3A_624 = arith.addi %scan3A_604, %scan3A_623 : i32
        %mul3A_625 = arith.constant 16 : i32
        %mul3A_626 = arith.muli %scan3A_624, %mul3A_625 : i32
        %add3A_627 = arith.constant 0 : i32
        %add3A_628 = arith.addi %add3A_627, %mul3A_626 : i32
        %get3A_629 = arith.index_cast %add3A_628 : i32 to index
        %get3A_630 = tpu.vector_load %arg7[%get3A_629] {strides = array<i32>} : memref<2048xf32, #tpu.memory_space<vmem>>, vector<16xf32>,
        %get3A_631 = vector.shape_cast %get3A_630 : vector<16xf32> to vector<16xf32>
        %sub3A_632 = arith.subf %get3A_631, %add3A_428 : vector<16xf32>
        %mul3A_633 = arith.constant 16 : i32
        %mul3A_634 = arith.muli %scan3A_624, %mul3A_633 : i32
        %add3A_635 = arith.constant 0 : i32
        %add3A_636 = arith.addi %add3A_635, %mul3A_634 : i32
        %swap3A_637 = arith.index_cast %add3A_636 : i32 to index
        %swap3A_638 = tpu.vector_load %arg7[%swap3A_637] {strides = array<i32>} : memref<2048xf32, #tpu.memory_space<vmem>>, vector<16xf32>,
        %swap3A_639 = vector.shape_cast %swap3A_638 : vector<16xf32> to vector<16xf32>
        %swap3A_640 = vector.shape_cast %sub3A_632 : vector<16xf32> to vector<16xf32>
        tpu.vector_store %arg7[%swap3A_637], %swap3A_640 {strides = array<i32>} : memref<2048xf32, #tpu.memory_space<vmem>>, vector<16xf32>,
        %scan3A_641 = arith.constant 0 : i32
        %scan3A_642 = arith.constant 2 : i32
        %scan3A_643 = arith.addi %scan3A_604, %scan3A_642 : i32
        %mul3A_644 = arith.constant 16 : i32
        %mul3A_645 = arith.muli %scan3A_643, %mul3A_644 : i32
        %add3A_646 = arith.constant 0 : i32
        %add3A_647 = arith.addi %add3A_646, %mul3A_645 : i32
        %get3A_648 = arith.index_cast %add3A_647 : i32 to index
        %get3A_649 = tpu.vector_load %arg7[%get3A_648] {strides = array<i32>} : memref<2048xf32, #tpu.memory_space<vmem>>, vector<16xf32>,
        %get3A_650 = vector.shape_cast %get3A_649 : vector<16xf32> to vector<16xf32>
        %sub3A_651 = arith.subf %get3A_650, %add3A_428 : vector<16xf32>
        %mul3A_652 = arith.constant 16 : i32
        %mul3A_653 = arith.muli %scan3A_643, %mul3A_652 : i32
        %add3A_654 = arith.constant 0 : i32
        %add3A_655 = arith.addi %add3A_654, %mul3A_653 : i32
        %swap3A_656 = arith.index_cast %add3A_655 : i32 to index
        %swap3A_657 = tpu.vector_load %arg7[%swap3A_656] {strides = array<i32>} : memref<2048xf32, #tpu.memory_space<vmem>>, vector<16xf32>,
        %swap3A_658 = vector.shape_cast %swap3A_657 : vector<16xf32> to vector<16xf32>
        %swap3A_659 = vector.shape_cast %sub3A_651 : vector<16xf32> to vector<16xf32>
        tpu.vector_store %arg7[%swap3A_656], %swap3A_659 {strides = array<i32>} : memref<2048xf32, #tpu.memory_space<vmem>>, vector<16xf32>,
        %scan3A_660 = arith.constant 0 : i32
        %scan3A_661 = arith.constant 3 : i32
        %scan3A_662 = arith.addi %scan3A_604, %scan3A_661 : i32
        %mul3A_663 = arith.constant 16 : i32
        %mul3A_664 = arith.muli %scan3A_662, %mul3A_663 : i32
        %add3A_665 = arith.constant 0 : i32
        %add3A_666 = arith.addi %add3A_665, %mul3A_664 : i32
        %get3A_667 = arith.index_cast %add3A_666 : i32 to index
        %get3A_668 = tpu.vector_load %arg7[%get3A_667] {strides = array<i32>} : memref<2048xf32, #tpu.memory_space<vmem>>, vector<16xf32>,
        %get3A_669 = vector.shape_cast %get3A_668 : vector<16xf32> to vector<16xf32>
        %sub3A_670 = arith.subf %get3A_669, %add3A_428 : vector<16xf32>
        %mul3A_671 = arith.constant 16 : i32
        %mul3A_672 = arith.muli %scan3A_662, %mul3A_671 : i32
        %add3A_673 = arith.constant 0 : i32
        %add3A_674 = arith.addi %add3A_673, %mul3A_672 : i32
        %swap3A_675 = arith.index_cast %add3A_674 : i32 to index
        %swap3A_676 = tpu.vector_load %arg7[%swap3A_675] {strides = array<i32>} : memref<2048xf32, #tpu.memory_space<vmem>>, vector<16xf32>,
        %swap3A_677 = vector.shape_cast %swap3A_676 : vector<16xf32> to vector<16xf32>
        %swap3A_678 = vector.shape_cast %sub3A_670 : vector<16xf32> to vector<16xf32>
        tpu.vector_store %arg7[%swap3A_675], %swap3A_678 {strides = array<i32>} : memref<2048xf32, #tpu.memory_space<vmem>>, vector<16xf32>,
        %scan3A_679 = arith.constant 0 : i32
        %scan3A_680 = arith.constant 4 : i32
        %scan3A_681 = arith.addi %scan3A_604, %scan3A_680 : i32
        %mul3A_682 = arith.constant 16 : i32
        %mul3A_683 = arith.muli %scan3A_681, %mul3A_682 : i32
        %add3A_684 = arith.constant 0 : i32
        %add3A_685 = arith.addi %add3A_684, %mul3A_683 : i32
        %get3A_686 = arith.index_cast %add3A_685 : i32 to index
        %get3A_687 = tpu.vector_load %arg7[%get3A_686] {strides = array<i32>} : memref<2048xf32, #tpu.memory_space<vmem>>, vector<16xf32>,
        %get3A_688 = vector.shape_cast %get3A_687 : vector<16xf32> to vector<16xf32>
        %sub3A_689 = arith.subf %get3A_688, %add3A_428 : vector<16xf32>
        %mul3A_690 = arith.constant 16 : i32
        %mul3A_691 = arith.muli %scan3A_681, %mul3A_690 : i32
        %add3A_692 = arith.constant 0 : i32
        %add3A_693 = arith.addi %add3A_692, %mul3A_691 : i32
        %swap3A_694 = arith.index_cast %add3A_693 : i32 to index
        %swap3A_695 = tpu.vector_load %arg7[%swap3A_694] {strides = array<i32>} : memref<2048xf32, #tpu.memory_space<vmem>>, vector<16xf32>,
        %swap3A_696 = vector.shape_cast %swap3A_695 : vector<16xf32> to vector<16xf32>
        %swap3A_697 = vector.shape_cast %sub3A_689 : vector<16xf32> to vector<16xf32>
        tpu.vector_store %arg7[%swap3A_694], %swap3A_697 {strides = array<i32>} : memref<2048xf32, #tpu.memory_space<vmem>>, vector<16xf32>,
        %scan3A_698 = arith.constant 0 : i32
        %scan3A_699 = arith.constant 5 : i32
        %scan3A_700 = arith.addi %scan3A_604, %scan3A_699 : i32
        %mul3A_701 = arith.constant 16 : i32
        %mul3A_702 = arith.muli %scan3A_700, %mul3A_701 : i32
        %add3A_703 = arith.constant 0 : i32
        %add3A_704 = arith.addi %add3A_703, %mul3A_702 : i32
        %get3A_705 = arith.index_cast %add3A_704 : i32 to index
        %get3A_706 = tpu.vector_load %arg7[%get3A_705] {strides = array<i32>} : memref<2048xf32, #tpu.memory_space<vmem>>, vector<16xf32>,
        %get3A_707 = vector.shape_cast %get3A_706 : vector<16xf32> to vector<16xf32>
        %sub3A_708 = arith.subf %get3A_707, %add3A_428 : vector<16xf32>
        %mul3A_709 = arith.constant 16 : i32
        %mul3A_710 = arith.muli %scan3A_700, %mul3A_709 : i32
        %add3A_711 = arith.constant 0 : i32
        %add3A_712 = arith.addi %add3A_711, %mul3A_710 : i32
        %swap3A_713 = arith.index_cast %add3A_712 : i32 to index
        %swap3A_714 = tpu.vector_load %arg7[%swap3A_713] {strides = array<i32>} : memref<2048xf32, #tpu.memory_space<vmem>>, vector<16xf32>,
        %swap3A_715 = vector.shape_cast %swap3A_714 : vector<16xf32> to vector<16xf32>
        %swap3A_716 = vector.shape_cast %sub3A_708 : vector<16xf32> to vector<16xf32>
        tpu.vector_store %arg7[%swap3A_713], %swap3A_716 {strides = array<i32>} : memref<2048xf32, #tpu.memory_space<vmem>>, vector<16xf32>,
        %scan3A_717 = arith.constant 0 : i32
        %scan3A_718 = arith.constant 6 : i32
        %scan3A_719 = arith.addi %scan3A_604, %scan3A_718 : i32
        %mul3A_720 = arith.constant 16 : i32
        %mul3A_721 = arith.muli %scan3A_719, %mul3A_720 : i32
        %add3A_722 = arith.constant 0 : i32
        %add3A_723 = arith.addi %add3A_722, %mul3A_721 : i32
        %get3A_724 = arith.index_cast %add3A_723 : i32 to index
        %get3A_725 = tpu.vector_load %arg7[%get3A_724] {strides = array<i32>} : memref<2048xf32, #tpu.memory_space<vmem>>, vector<16xf32>,
        %get3A_726 = vector.shape_cast %get3A_725 : vector<16xf32> to vector<16xf32>
        %sub3A_727 = arith.subf %get3A_726, %add3A_428 : vector<16xf32>
        %mul3A_728 = arith.constant 16 : i32
        %mul3A_729 = arith.muli %scan3A_719, %mul3A_728 : i32
        %add3A_730 = arith.constant 0 : i32
        %add3A_731 = arith.addi %add3A_730, %mul3A_729 : i32
        %swap3A_732 = arith.index_cast %add3A_731 : i32 to index
        %swap3A_733 = tpu.vector_load %arg7[%swap3A_732] {strides = array<i32>} : memref<2048xf32, #tpu.memory_space<vmem>>, vector<16xf32>,
        %swap3A_734 = vector.shape_cast %swap3A_733 : vector<16xf32> to vector<16xf32>
        %swap3A_735 = vector.shape_cast %sub3A_727 : vector<16xf32> to vector<16xf32>
        tpu.vector_store %arg7[%swap3A_732], %swap3A_735 {strides = array<i32>} : memref<2048xf32, #tpu.memory_space<vmem>>, vector<16xf32>,
        %scan3A_736 = arith.constant 0 : i32
        %scan3A_737 = arith.constant 7 : i32
        %scan3A_738 = arith.addi %scan3A_604, %scan3A_737 : i32
        %mul3A_739 = arith.constant 16 : i32
        %mul3A_740 = arith.muli %scan3A_738, %mul3A_739 : i32
        %add3A_741 = arith.constant 0 : i32
        %add3A_742 = arith.addi %add3A_741, %mul3A_740 : i32
        %get3A_743 = arith.index_cast %add3A_742 : i32 to index
        %get3A_744 = tpu.vector_load %arg7[%get3A_743] {strides = array<i32>} : memref<2048xf32, #tpu.memory_space<vmem>>, vector<16xf32>,
        %get3A_745 = vector.shape_cast %get3A_744 : vector<16xf32> to vector<16xf32>
        %sub3A_746 = arith.subf %get3A_745, %add3A_428 : vector<16xf32>
        %mul3A_747 = arith.constant 16 : i32
        %mul3A_748 = arith.muli %scan3A_738, %mul3A_747 : i32
        %add3A_749 = arith.constant 0 : i32
        %add3A_750 = arith.addi %add3A_749, %mul3A_748 : i32
        %swap3A_751 = arith.index_cast %add3A_750 : i32 to index
        %swap3A_752 = tpu.vector_load %arg7[%swap3A_751] {strides = array<i32>} : memref<2048xf32, #tpu.memory_space<vmem>>, vector<16xf32>,
        %swap3A_753 = vector.shape_cast %swap3A_752 : vector<16xf32> to vector<16xf32>
        %swap3A_754 = vector.shape_cast %sub3A_746 : vector<16xf32> to vector<16xf32>
        tpu.vector_store %arg7[%swap3A_751], %swap3A_754 {strides = array<i32>} : memref<2048xf32, #tpu.memory_space<vmem>>, vector<16xf32>,
        %scan3A_755 = arith.constant 0 : i32
        scf.yield %scan3A_755 : i32
      }
      %scan3A_435 = arith.constant 64 : i32
      %add3A_436 = arith.constant 0 : i32
      %add3A_437 = arith.addi %mul3A_4, %add3A_436 : i32
      %mul3A_438 = arith.constant 1000 : i32
      %mul3A_439 = arith.muli %add3A_437, %mul3A_438 : i32
      "tpu.region"() ({
        %run_scoped3A = tpu.sem_alloc : memref<!tpu.dma_semaphore, #tpu.memory_space<semaphore_mem>>
        %dma_start3A_604 = arith.constant 0 : i32
        %dma_start3A_605 = tpu.memref_slice %arg7[%dma_start3A_604] : memref<2048xf32, #tpu.memory_space<vmem>> -> memref<1000xf32, #tpu.memory_space<vmem>>
        %dma_start3A_606 = tpu.memref_slice %arg4[%mul3A_439] : memref<50000xf32, #tpu.memory_space<hbm>> -> memref<1000xf32, #tpu.memory_space<hbm>>
        %dma_start3A_607 = tpu.memref_slice %arg4[%mul3A_439] : memref<50000xf32, #tpu.memory_space<hbm>> -> memref<1000xf32, #tpu.memory_space<hbm>>
        %dma_start3A_608 = arith.constant 0 : i32
        %dma_start3A_609 = tpu.memref_slice %arg7[%dma_start3A_608] : memref<2048xf32, #tpu.memory_space<vmem>> -> memref<1000xf32, #tpu.memory_space<vmem>>
        tpu.enqueue_dma source(%dma_start3A_609 : memref<1000xf32, #tpu.memory_space<vmem>>) target(%dma_start3A_607 : memref<1000xf32, #tpu.memory_space<hbm>>) target_semaphore(%run_scoped3A : memref<!tpu.dma_semaphore, #tpu.memory_space<semaphore_mem>>)
        %dma_wait3A_610 = arith.constant 0 : i32
        %dma_wait3A_611 = tpu.memref_slice %arg7[%dma_wait3A_610] : memref<2048xf32, #tpu.memory_space<vmem>> -> memref<1000xf32, #tpu.memory_space<vmem>>
        %dma_wait3A_612 = tpu.memref_slice %arg4[%mul3A_439] : memref<50000xf32, #tpu.memory_space<hbm>> -> memref<1000xf32, #tpu.memory_space<hbm>>
        %dma_wait3A_613 = tpu.memref_slice %arg4[%mul3A_439] : memref<50000xf32, #tpu.memory_space<hbm>> -> memref<1000xf32, #tpu.memory_space<hbm>>
        %dma_wait3A_614 = arith.constant 0 : i32
        %dma_wait3A_615 = tpu.memref_slice %arg7[%dma_wait3A_614] : memref<2048xf32, #tpu.memory_space<vmem>> -> memref<1000xf32, #tpu.memory_space<vmem>>
        tpu.wait_dma2 semaphore(%run_scoped3A : memref<!tpu.dma_semaphore, #tpu.memory_space<semaphore_mem>>) src(%dma_wait3A_615 : memref<1000xf32, #tpu.memory_space<vmem>>) dst(%dma_wait3A_613 : memref<1000xf32, #tpu.memory_space<hbm>>)
        tpu.yield
      }) : () -> ()
      %dma_wait3A_440 = arith.constant 1024 : i32
      %dma_wait3A_441 = tpu.memref_slice %arg7[%dma_wait3A_440] : memref<2048xf32, #tpu.memory_space<vmem>> -> memref<1024xf32, #tpu.memory_space<vmem>>
      %dma_wait3A_442 = arith.constant 1024 : i32
      %dma_wait3A_443 = tpu.memref_slice %arg6[%dma_wait3A_442] : memref<2048xi32, #tpu.memory_space<vmem>> -> memref<1024xi32, #tpu.memory_space<vmem>>
      %dma_wait3A_444 = arith.constant 0 : i32
      %dma_wait3A_445 = tpu.memref_slice %arg2[%dma_wait3A_444] : memref<51200000xf32, #tpu.memory_space<hbm>> -> memref<51200000xf32, #tpu.memory_space<hbm>>
      tpu.wait_indirect_dma semaphore(%arg8 : memref<!tpu.dma_semaphore, #tpu.memory_space<semaphore_mem>>) src(%dma_wait3A_445 : memref<51200000xf32, #tpu.memory_space<hbm>>) dst(%dma_wait3A_441 : memref<1024xf32, #tpu.memory_space<vmem>>)
      %get3A_446 = arith.constant 2016 : index
      %get3A_447 = tpu.vector_load %arg7[%get3A_446] {strides = array<i32>} : memref<2048xf32, #tpu.memory_space<vmem>>, vector<16xf32>,
      %get3A_448 = vector.shape_cast %get3A_447 : vector<16xf32> to vector<16xf32>
      %lt3A_449 = arith.constant 8 : i32
      %lt3A_450 = vector.broadcast %lt3A_449 : i32 to vector<16xi32>
      %lt3A_451 = arith.cmpi slt, %iota3A, %lt3A_450 : vector<16xi32>
      %select_n3A_452 = arith.select %lt3A_451, %get3A_448, %broadcast_in_dim3A_25 : vector<16xi1>, vector<16xf32>
      %swap3A_453 = arith.constant 2016 : index
      %swap3A_454 = tpu.vector_load %arg7[%swap3A_453] {strides = array<i32>} : memref<2048xf32, #tpu.memory_space<vmem>>, vector<16xf32>,
      %swap3A_455 = vector.shape_cast %swap3A_454 : vector<16xf32> to vector<16xf32>
      %swap3A_456 = vector.shape_cast %select_n3A_452 : vector<16xf32> to vector<16xf32>
      tpu.vector_store %arg7[%swap3A_453], %swap3A_456 {strides = array<i32>} : memref<2048xf32, #tpu.memory_space<vmem>>, vector<16xf32>,
      %swap3A_457 = arith.constant 2032 : index
      %swap3A_458 = tpu.vector_load %arg7[%swap3A_457] {strides = array<i32>} : memref<2048xf32, #tpu.memory_space<vmem>>, vector<16xf32>,
      %swap3A_459 = vector.shape_cast %swap3A_458 : vector<16xf32> to vector<16xf32>
      %swap3A_460 = vector.shape_cast %broadcast_in_dim3A_25 : vector<16xf32> to vector<16xf32>
      tpu.vector_store %arg7[%swap3A_457], %swap3A_460 {strides = array<i32>} : memref<2048xf32, #tpu.memory_space<vmem>>, vector<16xf32>,
      %scan3A_461 = arith.constant 0 : i32
      %scan3A_462 = arith.constant 64 : i32
      %scan3A_463 = arith.addi %scan3A_461, %scan3A_462 : i32
      %scan3A_464 = arith.constant 8 : i32
      %scan3A_465 = scf.for %scan3A_604 = %scan3A_461 to %scan3A_463 step %scan3A_464 iter_args(%scan3A_605 = %broadcast_in_dim3A_25) -> (vector<16xf32>)  : i32 {
        %mul3A_606 = arith.constant 16 : i32
        %mul3A_607 = arith.muli %scan3A_604, %mul3A_606 : i32
        %add3A_608 = arith.constant 1024 : i32
        %add3A_609 = arith.addi %add3A_608, %mul3A_607 : i32
        %get3A_610 = arith.index_cast %add3A_609 : i32 to index
        %get3A_611 = tpu.vector_load %arg7[%get3A_610] {strides = array<i32>} : memref<2048xf32, #tpu.memory_space<vmem>>, vector<16xf32>,
        %get3A_612 = vector.shape_cast %get3A_611 : vector<16xf32> to vector<16xf32>
        %max3A_613 = arith.maximumf %scan3A_605, %get3A_612 : vector<16xf32>
        %scan3A_614 = arith.constant 1 : i32
        %scan3A_615 = arith.addi %scan3A_604, %scan3A_614 : i32
        %mul3A_616 = arith.constant 16 : i32
        %mul3A_617 = arith.muli %scan3A_615, %mul3A_616 : i32
        %add3A_618 = arith.constant 1024 : i32
        %add3A_619 = arith.addi %add3A_618, %mul3A_617 : i32
        %get3A_620 = arith.index_cast %add3A_619 : i32 to index
        %get3A_621 = tpu.vector_load %arg7[%get3A_620] {strides = array<i32>} : memref<2048xf32, #tpu.memory_space<vmem>>, vector<16xf32>,
        %get3A_622 = vector.shape_cast %get3A_621 : vector<16xf32> to vector<16xf32>
        %max3A_623 = arith.maximumf %max3A_613, %get3A_622 : vector<16xf32>
        %scan3A_624 = arith.constant 2 : i32
        %scan3A_625 = arith.addi %scan3A_604, %scan3A_624 : i32
        %mul3A_626 = arith.constant 16 : i32
        %mul3A_627 = arith.muli %scan3A_625, %mul3A_626 : i32
        %add3A_628 = arith.constant 1024 : i32
        %add3A_629 = arith.addi %add3A_628, %mul3A_627 : i32
        %get3A_630 = arith.index_cast %add3A_629 : i32 to index
        %get3A_631 = tpu.vector_load %arg7[%get3A_630] {strides = array<i32>} : memref<2048xf32, #tpu.memory_space<vmem>>, vector<16xf32>,
        %get3A_632 = vector.shape_cast %get3A_631 : vector<16xf32> to vector<16xf32>
        %max3A_633 = arith.maximumf %max3A_623, %get3A_632 : vector<16xf32>
        %scan3A_634 = arith.constant 3 : i32
        %scan3A_635 = arith.addi %scan3A_604, %scan3A_634 : i32
        %mul3A_636 = arith.constant 16 : i32
        %mul3A_637 = arith.muli %scan3A_635, %mul3A_636 : i32
        %add3A_638 = arith.constant 1024 : i32
        %add3A_639 = arith.addi %add3A_638, %mul3A_637 : i32
        %get3A_640 = arith.index_cast %add3A_639 : i32 to index
        %get3A_641 = tpu.vector_load %arg7[%get3A_640] {strides = array<i32>} : memref<2048xf32, #tpu.memory_space<vmem>>, vector<16xf32>,
        %get3A_642 = vector.shape_cast %get3A_641 : vector<16xf32> to vector<16xf32>
        %max3A_643 = arith.maximumf %max3A_633, %get3A_642 : vector<16xf32>
        %scan3A_644 = arith.constant 4 : i32
        %scan3A_645 = arith.addi %scan3A_604, %scan3A_644 : i32
        %mul3A_646 = arith.constant 16 : i32
        %mul3A_647 = arith.muli %scan3A_645, %mul3A_646 : i32
        %add3A_648 = arith.constant 1024 : i32
        %add3A_649 = arith.addi %add3A_648, %mul3A_647 : i32
        %get3A_650 = arith.index_cast %add3A_649 : i32 to index
        %get3A_651 = tpu.vector_load %arg7[%get3A_650] {strides = array<i32>} : memref<2048xf32, #tpu.memory_space<vmem>>, vector<16xf32>,
        %get3A_652 = vector.shape_cast %get3A_651 : vector<16xf32> to vector<16xf32>
        %max3A_653 = arith.maximumf %max3A_643, %get3A_652 : vector<16xf32>
        %scan3A_654 = arith.constant 5 : i32
        %scan3A_655 = arith.addi %scan3A_604, %scan3A_654 : i32
        %mul3A_656 = arith.constant 16 : i32
        %mul3A_657 = arith.muli %scan3A_655, %mul3A_656 : i32
        %add3A_658 = arith.constant 1024 : i32
        %add3A_659 = arith.addi %add3A_658, %mul3A_657 : i32
        %get3A_660 = arith.index_cast %add3A_659 : i32 to index
        %get3A_661 = tpu.vector_load %arg7[%get3A_660] {strides = array<i32>} : memref<2048xf32, #tpu.memory_space<vmem>>, vector<16xf32>,
        %get3A_662 = vector.shape_cast %get3A_661 : vector<16xf32> to vector<16xf32>
        %max3A_663 = arith.maximumf %max3A_653, %get3A_662 : vector<16xf32>
        %scan3A_664 = arith.constant 6 : i32
        %scan3A_665 = arith.addi %scan3A_604, %scan3A_664 : i32
        %mul3A_666 = arith.constant 16 : i32
        %mul3A_667 = arith.muli %scan3A_665, %mul3A_666 : i32
        %add3A_668 = arith.constant 1024 : i32
        %add3A_669 = arith.addi %add3A_668, %mul3A_667 : i32
        %get3A_670 = arith.index_cast %add3A_669 : i32 to index
        %get3A_671 = tpu.vector_load %arg7[%get3A_670] {strides = array<i32>} : memref<2048xf32, #tpu.memory_space<vmem>>, vector<16xf32>,
        %get3A_672 = vector.shape_cast %get3A_671 : vector<16xf32> to vector<16xf32>
        %max3A_673 = arith.maximumf %max3A_663, %get3A_672 : vector<16xf32>
        %scan3A_674 = arith.constant 7 : i32
        %scan3A_675 = arith.addi %scan3A_604, %scan3A_674 : i32
        %mul3A_676 = arith.constant 16 : i32
        %mul3A_677 = arith.muli %scan3A_675, %mul3A_676 : i32
        %add3A_678 = arith.constant 1024 : i32
        %add3A_679 = arith.addi %add3A_678, %mul3A_677 : i32
        %get3A_680 = arith.index_cast %add3A_679 : i32 to index
        %get3A_681 = tpu.vector_load %arg7[%get3A_680] {strides = array<i32>} : memref<2048xf32, #tpu.memory_space<vmem>>, vector<16xf32>,
        %get3A_682 = vector.shape_cast %get3A_681 : vector<16xf32> to vector<16xf32>
        %max3A_683 = arith.maximumf %max3A_673, %get3A_682 : vector<16xf32>
        scf.yield %max3A_683 : vector<16xf32>
      }
      %scan3A_466 = arith.constant 64 : i32
      %iota3A_467 = tpu.iota {dimensions = array<i32: 0>} : vector<16xi32>
      %xor3A_468 = arith.constant 1 : i32
      %xor3A_469 = vector.broadcast %xor3A_468 : i32 to vector<16xi32>
      %xor3A_470 = arith.xori %iota3A_467, %xor3A_469 : vector<16xi32>
      %reshape3A_471 = vector.shape_cast %xor3A_470 : vector<16xi32> to vector<16x1xi32>
      %gather3A_472 = vector.shape_cast %reshape3A_471 : vector<16x1xi32> to vector<16xi32>
      %gather3A_473 = tpu.dynamic_gather %scan3A_465[%gather3A_472] in [0] : vector<16xf32>, vector<16xi32> -> vector<16xf32>
      %max3A_474 = arith.maximumf %scan3A_465, %gather3A_473 : vector<16xf32>
      %iota3A_475 = tpu.iota {dimensions = array<i32: 0>} : vector<16xi32>
      %xor3A_476 = arith.constant 2 : i32
      %xor3A_477 = vector.broadcast %xor3A_476 : i32 to vector<16xi32>
      %xor3A_478 = arith.xori %iota3A_475, %xor3A_477 : vector<16xi32>
      %reshape3A_479 = vector.shape_cast %xor3A_478 : vector<16xi32> to vector<16x1xi32>
      %gather3A_480 = vector.shape_cast %reshape3A_479 : vector<16x1xi32> to vector<16xi32>
      %gather3A_481 = tpu.dynamic_gather %max3A_474[%gather3A_480] in [0] : vector<16xf32>, vector<16xi32> -> vector<16xf32>
      %max3A_482 = arith.maximumf %max3A_474, %gather3A_481 : vector<16xf32>
      %iota3A_483 = tpu.iota {dimensions = array<i32: 0>} : vector<16xi32>
      %xor3A_484 = arith.constant 4 : i32
      %xor3A_485 = vector.broadcast %xor3A_484 : i32 to vector<16xi32>
      %xor3A_486 = arith.xori %iota3A_483, %xor3A_485 : vector<16xi32>
      %reshape3A_487 = vector.shape_cast %xor3A_486 : vector<16xi32> to vector<16x1xi32>
      %gather3A_488 = vector.shape_cast %reshape3A_487 : vector<16x1xi32> to vector<16xi32>
      %gather3A_489 = tpu.dynamic_gather %max3A_482[%gather3A_488] in [0] : vector<16xf32>, vector<16xi32> -> vector<16xf32>
      %max3A_490 = arith.maximumf %max3A_482, %gather3A_489 : vector<16xf32>
      %iota3A_491 = tpu.iota {dimensions = array<i32: 0>} : vector<16xi32>
      %xor3A_492 = arith.constant 8 : i32
      %xor3A_493 = vector.broadcast %xor3A_492 : i32 to vector<16xi32>
      %xor3A_494 = arith.xori %iota3A_491, %xor3A_493 : vector<16xi32>
      %reshape3A_495 = vector.shape_cast %xor3A_494 : vector<16xi32> to vector<16x1xi32>
      %gather3A_496 = vector.shape_cast %reshape3A_495 : vector<16x1xi32> to vector<16xi32>
      %gather3A_497 = tpu.dynamic_gather %max3A_490[%gather3A_496] in [0] : vector<16xf32>, vector<16xi32> -> vector<16xf32>
      %max3A_498 = arith.maximumf %max3A_490, %gather3A_497 : vector<16xf32>
      %broadcast_in_dim3A_499 = arith.constant 0.000000e+00 : f32
      %broadcast_in_dim3A_500 = vector.broadcast %broadcast_in_dim3A_499 : f32 to vector<16xf32>
      %scan3A_501 = arith.constant 0 : i32
      %scan3A_502 = arith.constant 64 : i32
      %scan3A_503 = arith.addi %scan3A_501, %scan3A_502 : i32
      %scan3A_504 = arith.constant 8 : i32
      %scan3A_505 = scf.for %scan3A_604 = %scan3A_501 to %scan3A_503 step %scan3A_504 iter_args(%scan3A_605 = %broadcast_in_dim3A_500) -> (vector<16xf32>)  : i32 {
        %mul3A_606 = arith.constant 16 : i32
        %mul3A_607 = arith.muli %scan3A_604, %mul3A_606 : i32
        %add3A_608 = arith.constant 1024 : i32
        %add3A_609 = arith.addi %add3A_608, %mul3A_607 : i32
        %get3A_610 = arith.index_cast %add3A_609 : i32 to index
        %get3A_611 = tpu.vector_load %arg7[%get3A_610] {strides = array<i32>} : memref<2048xf32, #tpu.memory_space<vmem>>, vector<16xf32>,
        %get3A_612 = vector.shape_cast %get3A_611 : vector<16xf32> to vector<16xf32>
        %sub3A_613 = arith.subf %get3A_612, %max3A_498 : vector<16xf32>
        %exp3A = math.exp %sub3A_613 : vector<16xf32>
        %add3A_614 = arith.addf %scan3A_605, %exp3A : vector<16xf32>
        %scan3A_615 = arith.constant 1 : i32
        %scan3A_616 = arith.addi %scan3A_604, %scan3A_615 : i32
        %mul3A_617 = arith.constant 16 : i32
        %mul3A_618 = arith.muli %scan3A_616, %mul3A_617 : i32
        %add3A_619 = arith.constant 1024 : i32
        %add3A_620 = arith.addi %add3A_619, %mul3A_618 : i32
        %get3A_621 = arith.index_cast %add3A_620 : i32 to index
        %get3A_622 = tpu.vector_load %arg7[%get3A_621] {strides = array<i32>} : memref<2048xf32, #tpu.memory_space<vmem>>, vector<16xf32>,
        %get3A_623 = vector.shape_cast %get3A_622 : vector<16xf32> to vector<16xf32>
        %sub3A_624 = arith.subf %get3A_623, %max3A_498 : vector<16xf32>
        %exp3A_625 = math.exp %sub3A_624 : vector<16xf32>
        %add3A_626 = arith.addf %add3A_614, %exp3A_625 : vector<16xf32>
        %scan3A_627 = arith.constant 2 : i32
        %scan3A_628 = arith.addi %scan3A_604, %scan3A_627 : i32
        %mul3A_629 = arith.constant 16 : i32
        %mul3A_630 = arith.muli %scan3A_628, %mul3A_629 : i32
        %add3A_631 = arith.constant 1024 : i32
        %add3A_632 = arith.addi %add3A_631, %mul3A_630 : i32
        %get3A_633 = arith.index_cast %add3A_632 : i32 to index
        %get3A_634 = tpu.vector_load %arg7[%get3A_633] {strides = array<i32>} : memref<2048xf32, #tpu.memory_space<vmem>>, vector<16xf32>,
        %get3A_635 = vector.shape_cast %get3A_634 : vector<16xf32> to vector<16xf32>
        %sub3A_636 = arith.subf %get3A_635, %max3A_498 : vector<16xf32>
        %exp3A_637 = math.exp %sub3A_636 : vector<16xf32>
        %add3A_638 = arith.addf %add3A_626, %exp3A_637 : vector<16xf32>
        %scan3A_639 = arith.constant 3 : i32
        %scan3A_640 = arith.addi %scan3A_604, %scan3A_639 : i32
        %mul3A_641 = arith.constant 16 : i32
        %mul3A_642 = arith.muli %scan3A_640, %mul3A_641 : i32
        %add3A_643 = arith.constant 1024 : i32
        %add3A_644 = arith.addi %add3A_643, %mul3A_642 : i32
        %get3A_645 = arith.index_cast %add3A_644 : i32 to index
        %get3A_646 = tpu.vector_load %arg7[%get3A_645] {strides = array<i32>} : memref<2048xf32, #tpu.memory_space<vmem>>, vector<16xf32>,
        %get3A_647 = vector.shape_cast %get3A_646 : vector<16xf32> to vector<16xf32>
        %sub3A_648 = arith.subf %get3A_647, %max3A_498 : vector<16xf32>
        %exp3A_649 = math.exp %sub3A_648 : vector<16xf32>
        %add3A_650 = arith.addf %add3A_638, %exp3A_649 : vector<16xf32>
        %scan3A_651 = arith.constant 4 : i32
        %scan3A_652 = arith.addi %scan3A_604, %scan3A_651 : i32
        %mul3A_653 = arith.constant 16 : i32
        %mul3A_654 = arith.muli %scan3A_652, %mul3A_653 : i32
        %add3A_655 = arith.constant 1024 : i32
        %add3A_656 = arith.addi %add3A_655, %mul3A_654 : i32
        %get3A_657 = arith.index_cast %add3A_656 : i32 to index
        %get3A_658 = tpu.vector_load %arg7[%get3A_657] {strides = array<i32>} : memref<2048xf32, #tpu.memory_space<vmem>>, vector<16xf32>,
        %get3A_659 = vector.shape_cast %get3A_658 : vector<16xf32> to vector<16xf32>
        %sub3A_660 = arith.subf %get3A_659, %max3A_498 : vector<16xf32>
        %exp3A_661 = math.exp %sub3A_660 : vector<16xf32>
        %add3A_662 = arith.addf %add3A_650, %exp3A_661 : vector<16xf32>
        %scan3A_663 = arith.constant 5 : i32
        %scan3A_664 = arith.addi %scan3A_604, %scan3A_663 : i32
        %mul3A_665 = arith.constant 16 : i32
        %mul3A_666 = arith.muli %scan3A_664, %mul3A_665 : i32
        %add3A_667 = arith.constant 1024 : i32
        %add3A_668 = arith.addi %add3A_667, %mul3A_666 : i32
        %get3A_669 = arith.index_cast %add3A_668 : i32 to index
        %get3A_670 = tpu.vector_load %arg7[%get3A_669] {strides = array<i32>} : memref<2048xf32, #tpu.memory_space<vmem>>, vector<16xf32>,
        %get3A_671 = vector.shape_cast %get3A_670 : vector<16xf32> to vector<16xf32>
        %sub3A_672 = arith.subf %get3A_671, %max3A_498 : vector<16xf32>
        %exp3A_673 = math.exp %sub3A_672 : vector<16xf32>
        %add3A_674 = arith.addf %add3A_662, %exp3A_673 : vector<16xf32>
        %scan3A_675 = arith.constant 6 : i32
        %scan3A_676 = arith.addi %scan3A_604, %scan3A_675 : i32
        %mul3A_677 = arith.constant 16 : i32
        %mul3A_678 = arith.muli %scan3A_676, %mul3A_677 : i32
        %add3A_679 = arith.constant 1024 : i32
        %add3A_680 = arith.addi %add3A_679, %mul3A_678 : i32
        %get3A_681 = arith.index_cast %add3A_680 : i32 to index
        %get3A_682 = tpu.vector_load %arg7[%get3A_681] {strides = array<i32>} : memref<2048xf32, #tpu.memory_space<vmem>>, vector<16xf32>,
        %get3A_683 = vector.shape_cast %get3A_682 : vector<16xf32> to vector<16xf32>
        %sub3A_684 = arith.subf %get3A_683, %max3A_498 : vector<16xf32>
        %exp3A_685 = math.exp %sub3A_684 : vector<16xf32>
        %add3A_686 = arith.addf %add3A_674, %exp3A_685 : vector<16xf32>
        %scan3A_687 = arith.constant 7 : i32
        %scan3A_688 = arith.addi %scan3A_604, %scan3A_687 : i32
        %mul3A_689 = arith.constant 16 : i32
        %mul3A_690 = arith.muli %scan3A_688, %mul3A_689 : i32
        %add3A_691 = arith.constant 1024 : i32
        %add3A_692 = arith.addi %add3A_691, %mul3A_690 : i32
        %get3A_693 = arith.index_cast %add3A_692 : i32 to index
        %get3A_694 = tpu.vector_load %arg7[%get3A_693] {strides = array<i32>} : memref<2048xf32, #tpu.memory_space<vmem>>, vector<16xf32>,
        %get3A_695 = vector.shape_cast %get3A_694 : vector<16xf32> to vector<16xf32>
        %sub3A_696 = arith.subf %get3A_695, %max3A_498 : vector<16xf32>
        %exp3A_697 = math.exp %sub3A_696 : vector<16xf32>
        %add3A_698 = arith.addf %add3A_686, %exp3A_697 : vector<16xf32>
        scf.yield %add3A_698 : vector<16xf32>
      }
      %scan3A_506 = arith.constant 64 : i32
      %iota3A_507 = tpu.iota {dimensions = array<i32: 0>} : vector<16xi32>
      %xor3A_508 = arith.constant 1 : i32
      %xor3A_509 = vector.broadcast %xor3A_508 : i32 to vector<16xi32>
      %xor3A_510 = arith.xori %iota3A_507, %xor3A_509 : vector<16xi32>
      %reshape3A_511 = vector.shape_cast %xor3A_510 : vector<16xi32> to vector<16x1xi32>
      %gather3A_512 = vector.shape_cast %reshape3A_511 : vector<16x1xi32> to vector<16xi32>
      %gather3A_513 = tpu.dynamic_gather %scan3A_505[%gather3A_512] in [0] : vector<16xf32>, vector<16xi32> -> vector<16xf32>
      %add3A_514 = arith.addf %scan3A_505, %gather3A_513 : vector<16xf32>
      %iota3A_515 = tpu.iota {dimensions = array<i32: 0>} : vector<16xi32>
      %xor3A_516 = arith.constant 2 : i32
      %xor3A_517 = vector.broadcast %xor3A_516 : i32 to vector<16xi32>
      %xor3A_518 = arith.xori %iota3A_515, %xor3A_517 : vector<16xi32>
      %reshape3A_519 = vector.shape_cast %xor3A_518 : vector<16xi32> to vector<16x1xi32>
      %gather3A_520 = vector.shape_cast %reshape3A_519 : vector<16x1xi32> to vector<16xi32>
      %gather3A_521 = tpu.dynamic_gather %add3A_514[%gather3A_520] in [0] : vector<16xf32>, vector<16xi32> -> vector<16xf32>
      %add3A_522 = arith.addf %add3A_514, %gather3A_521 : vector<16xf32>
      %iota3A_523 = tpu.iota {dimensions = array<i32: 0>} : vector<16xi32>
      %xor3A_524 = arith.constant 4 : i32
      %xor3A_525 = vector.broadcast %xor3A_524 : i32 to vector<16xi32>
      %xor3A_526 = arith.xori %iota3A_523, %xor3A_525 : vector<16xi32>
      %reshape3A_527 = vector.shape_cast %xor3A_526 : vector<16xi32> to vector<16x1xi32>
      %gather3A_528 = vector.shape_cast %reshape3A_527 : vector<16x1xi32> to vector<16xi32>
      %gather3A_529 = tpu.dynamic_gather %add3A_522[%gather3A_528] in [0] : vector<16xf32>, vector<16xi32> -> vector<16xf32>
      %add3A_530 = arith.addf %add3A_522, %gather3A_529 : vector<16xf32>
      %iota3A_531 = tpu.iota {dimensions = array<i32: 0>} : vector<16xi32>
      %xor3A_532 = arith.constant 8 : i32
      %xor3A_533 = vector.broadcast %xor3A_532 : i32 to vector<16xi32>
      %xor3A_534 = arith.xori %iota3A_531, %xor3A_533 : vector<16xi32>
      %reshape3A_535 = vector.shape_cast %xor3A_534 : vector<16xi32> to vector<16x1xi32>
      %gather3A_536 = vector.shape_cast %reshape3A_535 : vector<16x1xi32> to vector<16xi32>
      %gather3A_537 = tpu.dynamic_gather %add3A_530[%gather3A_536] in [0] : vector<16xf32>, vector<16xi32> -> vector<16xf32>
      %add3A_538 = arith.addf %add3A_530, %gather3A_537 : vector<16xf32>
      %bitcast_convert_type3A_539 = tpu.bitcast %add3A_538 : vector<16xf32> -> vector<16xi32>
      %shift_right_logical3A_540 = arith.constant 23 : i32
      %shift_right_logical3A_541 = vector.broadcast %shift_right_logical3A_540 : i32 to vector<16xi32>
      %shift_right_logical3A_542 = arith.shrui %bitcast_convert_type3A_539, %shift_right_logical3A_541 : vector<16xi32>
      %sub3A_543 = arith.constant 127 : i32
      %sub3A_544 = vector.broadcast %sub3A_543 : i32 to vector<16xi32>
      %sub3A_545 = arith.subi %shift_right_logical3A_542, %sub3A_544 : vector<16xi32>
      %and3A_546 = arith.constant 8388607 : i32
      %and3A_547 = vector.broadcast %and3A_546 : i32 to vector<16xi32>
      %and3A_548 = arith.andi %bitcast_convert_type3A_539, %and3A_547 : vector<16xi32>
      %or3A_549 = arith.constant 1065353216 : i32
      %or3A_550 = vector.broadcast %or3A_549 : i32 to vector<16xi32>
      %or3A_551 = arith.ori %and3A_548, %or3A_550 : vector<16xi32>
      %bitcast_convert_type3A_552 = tpu.bitcast %or3A_551 : vector<16xi32> -> vector<16xf32>
      %gt3A_553 = arith.constant 1.41421354 : f32
      %gt3A_554 = vector.broadcast %gt3A_553 : f32 to vector<16xf32>
      %gt3A_555 = arith.cmpf ogt, %bitcast_convert_type3A_552, %gt3A_554 : vector<16xf32>
      %mul3A_556 = arith.constant 5.000000e-01 : f32
      %mul3A_557 = vector.broadcast %mul3A_556 : f32 to vector<16xf32>
      %mul3A_558 = arith.mulf %bitcast_convert_type3A_552, %mul3A_557 : vector<16xf32>
      %select_n3A_559 = arith.select %gt3A_555, %mul3A_558, %bitcast_convert_type3A_552 : vector<16xi1>, vector<16xf32>
      %add3A_560 = arith.constant 1 : i32
      %add3A_561 = vector.broadcast %add3A_560 : i32 to vector<16xi32>
      %add3A_562 = arith.addi %sub3A_545, %add3A_561 : vector<16xi32>
      %select_n3A_563 = arith.select %gt3A_555, %add3A_562, %sub3A_545 : vector<16xi1>, vector<16xi32>
      %sub3A_564 = arith.constant 1.000000e+00 : f32
      %sub3A_565 = vector.broadcast %sub3A_564 : f32 to vector<16xf32>
      %sub3A_566 = arith.subf %select_n3A_559, %sub3A_565 : vector<16xf32>
      %add3A_567 = arith.constant 1.000000e+00 : f32
      %add3A_568 = vector.broadcast %add3A_567 : f32 to vector<16xf32>
      %add3A_569 = arith.addf %select_n3A_559, %add3A_568 : vector<16xf32>
      %div3A_570 = arith.divf %sub3A_566, %add3A_569 : vector<16xf32>
      %mul3A_571 = arith.mulf %div3A_570, %div3A_570 : vector<16xf32>
      %mul3A_572 = arith.constant 0.285714298 : f32
      %mul3A_573 = vector.broadcast %mul3A_572 : f32 to vector<16xf32>
      %mul3A_574 = arith.mulf %mul3A_571, %mul3A_573 : vector<16xf32>
      %add3A_575 = arith.constant 4.000000e-01 : f32
      %add3A_576 = vector.broadcast %add3A_575 : f32 to vector<16xf32>
      %add3A_577 = arith.addf %add3A_576, %mul3A_574 : vector<16xf32>
      %mul3A_578 = arith.mulf %mul3A_571, %add3A_577 : vector<16xf32>
      %add3A_579 = arith.constant 0.666666686 : f32
      %add3A_580 = vector.broadcast %add3A_579 : f32 to vector<16xf32>
      %add3A_581 = arith.addf %add3A_580, %mul3A_578 : vector<16xf32>
      %mul3A_582 = arith.mulf %mul3A_571, %add3A_581 : vector<16xf32>
      %add3A_583 = arith.constant 2.000000e+00 : f32
      %add3A_584 = vector.broadcast %add3A_583 : f32 to vector<16xf32>
      %add3A_585 = arith.addf %add3A_584, %mul3A_582 : vector<16xf32>
      %mul3A_586 = arith.mulf %div3A_570, %add3A_585 : vector<16xf32>
      %convert_element_type3A_587 = arith.sitofp %select_n3A_563 : vector<16xi32> to vector<16xf32>
      %mul3A_588 = arith.constant 0.693147182 : f32
      %mul3A_589 = vector.broadcast %mul3A_588 : f32 to vector<16xf32>
      %mul3A_590 = arith.mulf %convert_element_type3A_587, %mul3A_589 : vector<16xf32>
      %add3A_591 = arith.addf %mul3A_590, %mul3A_586 : vector<16xf32>
      %add3A_592 = arith.addf %max3A_498, %add3A_591 : vector<16xf32>
      %scan3A_593 = arith.constant 0 : i32
      %scan3A_594 = arith.constant 0 : i32
      %scan3A_595 = arith.constant 64 : i32
      %scan3A_596 = arith.addi %scan3A_594, %scan3A_595 : i32
      %scan3A_597 = arith.constant 8 : i32
      %scan3A_598 = scf.for %scan3A_604 = %scan3A_594 to %scan3A_596 step %scan3A_597 iter_args(%scan3A_605 = %scan3A_593) -> (i32)  : i32 {
        %mul3A_606 = arith.constant 16 : i32
        %mul3A_607 = arith.muli %scan3A_604, %mul3A_606 : i32
        %add3A_608 = arith.constant 1024 : i32
        %add3A_609 = arith.addi %add3A_608, %mul3A_607 : i32
        %get3A_610 = arith.index_cast %add3A_609 : i32 to index
        %get3A_611 = tpu.vector_load %arg7[%get3A_610] {strides = array<i32>} : memref<2048xf32, #tpu.memory_space<vmem>>, vector<16xf32>,
        %get3A_612 = vector.shape_cast %get3A_611 : vector<16xf32> to vector<16xf32>
        %sub3A_613 = arith.subf %get3A_612, %add3A_592 : vector<16xf32>
        %mul3A_614 = arith.constant 16 : i32
        %mul3A_615 = arith.muli %scan3A_604, %mul3A_614 : i32
        %add3A_616 = arith.constant 1024 : i32
        %add3A_617 = arith.addi %add3A_616, %mul3A_615 : i32
        %swap3A_618 = arith.index_cast %add3A_617 : i32 to index
        %swap3A_619 = tpu.vector_load %arg7[%swap3A_618] {strides = array<i32>} : memref<2048xf32, #tpu.memory_space<vmem>>, vector<16xf32>,
        %swap3A_620 = vector.shape_cast %swap3A_619 : vector<16xf32> to vector<16xf32>
        %swap3A_621 = vector.shape_cast %sub3A_613 : vector<16xf32> to vector<16xf32>
        tpu.vector_store %arg7[%swap3A_618], %swap3A_621 {strides = array<i32>} : memref<2048xf32, #tpu.memory_space<vmem>>, vector<16xf32>,
        %scan3A_622 = arith.constant 0 : i32
        %scan3A_623 = arith.constant 1 : i32
        %scan3A_624 = arith.addi %scan3A_604, %scan3A_623 : i32
        %mul3A_625 = arith.constant 16 : i32
        %mul3A_626 = arith.muli %scan3A_624, %mul3A_625 : i32
        %add3A_627 = arith.constant 1024 : i32
        %add3A_628 = arith.addi %add3A_627, %mul3A_626 : i32
        %get3A_629 = arith.index_cast %add3A_628 : i32 to index
        %get3A_630 = tpu.vector_load %arg7[%get3A_629] {strides = array<i32>} : memref<2048xf32, #tpu.memory_space<vmem>>, vector<16xf32>,
        %get3A_631 = vector.shape_cast %get3A_630 : vector<16xf32> to vector<16xf32>
        %sub3A_632 = arith.subf %get3A_631, %add3A_592 : vector<16xf32>
        %mul3A_633 = arith.constant 16 : i32
        %mul3A_634 = arith.muli %scan3A_624, %mul3A_633 : i32
        %add3A_635 = arith.constant 1024 : i32
        %add3A_636 = arith.addi %add3A_635, %mul3A_634 : i32
        %swap3A_637 = arith.index_cast %add3A_636 : i32 to index
        %swap3A_638 = tpu.vector_load %arg7[%swap3A_637] {strides = array<i32>} : memref<2048xf32, #tpu.memory_space<vmem>>, vector<16xf32>,
        %swap3A_639 = vector.shape_cast %swap3A_638 : vector<16xf32> to vector<16xf32>
        %swap3A_640 = vector.shape_cast %sub3A_632 : vector<16xf32> to vector<16xf32>
        tpu.vector_store %arg7[%swap3A_637], %swap3A_640 {strides = array<i32>} : memref<2048xf32, #tpu.memory_space<vmem>>, vector<16xf32>,
        %scan3A_641 = arith.constant 0 : i32
        %scan3A_642 = arith.constant 2 : i32
        %scan3A_643 = arith.addi %scan3A_604, %scan3A_642 : i32
        %mul3A_644 = arith.constant 16 : i32
        %mul3A_645 = arith.muli %scan3A_643, %mul3A_644 : i32
        %add3A_646 = arith.constant 1024 : i32
        %add3A_647 = arith.addi %add3A_646, %mul3A_645 : i32
        %get3A_648 = arith.index_cast %add3A_647 : i32 to index
        %get3A_649 = tpu.vector_load %arg7[%get3A_648] {strides = array<i32>} : memref<2048xf32, #tpu.memory_space<vmem>>, vector<16xf32>,
        %get3A_650 = vector.shape_cast %get3A_649 : vector<16xf32> to vector<16xf32>
        %sub3A_651 = arith.subf %get3A_650, %add3A_592 : vector<16xf32>
        %mul3A_652 = arith.constant 16 : i32
        %mul3A_653 = arith.muli %scan3A_643, %mul3A_652 : i32
        %add3A_654 = arith.constant 1024 : i32
        %add3A_655 = arith.addi %add3A_654, %mul3A_653 : i32
        %swap3A_656 = arith.index_cast %add3A_655 : i32 to index
        %swap3A_657 = tpu.vector_load %arg7[%swap3A_656] {strides = array<i32>} : memref<2048xf32, #tpu.memory_space<vmem>>, vector<16xf32>,
        %swap3A_658 = vector.shape_cast %swap3A_657 : vector<16xf32> to vector<16xf32>
        %swap3A_659 = vector.shape_cast %sub3A_651 : vector<16xf32> to vector<16xf32>
        tpu.vector_store %arg7[%swap3A_656], %swap3A_659 {strides = array<i32>} : memref<2048xf32, #tpu.memory_space<vmem>>, vector<16xf32>,
        %scan3A_660 = arith.constant 0 : i32
        %scan3A_661 = arith.constant 3 : i32
        %scan3A_662 = arith.addi %scan3A_604, %scan3A_661 : i32
        %mul3A_663 = arith.constant 16 : i32
        %mul3A_664 = arith.muli %scan3A_662, %mul3A_663 : i32
        %add3A_665 = arith.constant 1024 : i32
        %add3A_666 = arith.addi %add3A_665, %mul3A_664 : i32
        %get3A_667 = arith.index_cast %add3A_666 : i32 to index
        %get3A_668 = tpu.vector_load %arg7[%get3A_667] {strides = array<i32>} : memref<2048xf32, #tpu.memory_space<vmem>>, vector<16xf32>,
        %get3A_669 = vector.shape_cast %get3A_668 : vector<16xf32> to vector<16xf32>
        %sub3A_670 = arith.subf %get3A_669, %add3A_592 : vector<16xf32>
        %mul3A_671 = arith.constant 16 : i32
        %mul3A_672 = arith.muli %scan3A_662, %mul3A_671 : i32
        %add3A_673 = arith.constant 1024 : i32
        %add3A_674 = arith.addi %add3A_673, %mul3A_672 : i32
        %swap3A_675 = arith.index_cast %add3A_674 : i32 to index
        %swap3A_676 = tpu.vector_load %arg7[%swap3A_675] {strides = array<i32>} : memref<2048xf32, #tpu.memory_space<vmem>>, vector<16xf32>,
        %swap3A_677 = vector.shape_cast %swap3A_676 : vector<16xf32> to vector<16xf32>
        %swap3A_678 = vector.shape_cast %sub3A_670 : vector<16xf32> to vector<16xf32>
        tpu.vector_store %arg7[%swap3A_675], %swap3A_678 {strides = array<i32>} : memref<2048xf32, #tpu.memory_space<vmem>>, vector<16xf32>,
        %scan3A_679 = arith.constant 0 : i32
        %scan3A_680 = arith.constant 4 : i32
        %scan3A_681 = arith.addi %scan3A_604, %scan3A_680 : i32
        %mul3A_682 = arith.constant 16 : i32
        %mul3A_683 = arith.muli %scan3A_681, %mul3A_682 : i32
        %add3A_684 = arith.constant 1024 : i32
        %add3A_685 = arith.addi %add3A_684, %mul3A_683 : i32
        %get3A_686 = arith.index_cast %add3A_685 : i32 to index
        %get3A_687 = tpu.vector_load %arg7[%get3A_686] {strides = array<i32>} : memref<2048xf32, #tpu.memory_space<vmem>>, vector<16xf32>,
        %get3A_688 = vector.shape_cast %get3A_687 : vector<16xf32> to vector<16xf32>
        %sub3A_689 = arith.subf %get3A_688, %add3A_592 : vector<16xf32>
        %mul3A_690 = arith.constant 16 : i32
        %mul3A_691 = arith.muli %scan3A_681, %mul3A_690 : i32
        %add3A_692 = arith.constant 1024 : i32
        %add3A_693 = arith.addi %add3A_692, %mul3A_691 : i32
        %swap3A_694 = arith.index_cast %add3A_693 : i32 to index
        %swap3A_695 = tpu.vector_load %arg7[%swap3A_694] {strides = array<i32>} : memref<2048xf32, #tpu.memory_space<vmem>>, vector<16xf32>,
        %swap3A_696 = vector.shape_cast %swap3A_695 : vector<16xf32> to vector<16xf32>
        %swap3A_697 = vector.shape_cast %sub3A_689 : vector<16xf32> to vector<16xf32>
        tpu.vector_store %arg7[%swap3A_694], %swap3A_697 {strides = array<i32>} : memref<2048xf32, #tpu.memory_space<vmem>>, vector<16xf32>,
        %scan3A_698 = arith.constant 0 : i32
        %scan3A_699 = arith.constant 5 : i32
        %scan3A_700 = arith.addi %scan3A_604, %scan3A_699 : i32
        %mul3A_701 = arith.constant 16 : i32
        %mul3A_702 = arith.muli %scan3A_700, %mul3A_701 : i32
        %add3A_703 = arith.constant 1024 : i32
        %add3A_704 = arith.addi %add3A_703, %mul3A_702 : i32
        %get3A_705 = arith.index_cast %add3A_704 : i32 to index
        %get3A_706 = tpu.vector_load %arg7[%get3A_705] {strides = array<i32>} : memref<2048xf32, #tpu.memory_space<vmem>>, vector<16xf32>,
        %get3A_707 = vector.shape_cast %get3A_706 : vector<16xf32> to vector<16xf32>
        %sub3A_708 = arith.subf %get3A_707, %add3A_592 : vector<16xf32>
        %mul3A_709 = arith.constant 16 : i32
        %mul3A_710 = arith.muli %scan3A_700, %mul3A_709 : i32
        %add3A_711 = arith.constant 1024 : i32
        %add3A_712 = arith.addi %add3A_711, %mul3A_710 : i32
        %swap3A_713 = arith.index_cast %add3A_712 : i32 to index
        %swap3A_714 = tpu.vector_load %arg7[%swap3A_713] {strides = array<i32>} : memref<2048xf32, #tpu.memory_space<vmem>>, vector<16xf32>,
        %swap3A_715 = vector.shape_cast %swap3A_714 : vector<16xf32> to vector<16xf32>
        %swap3A_716 = vector.shape_cast %sub3A_708 : vector<16xf32> to vector<16xf32>
        tpu.vector_store %arg7[%swap3A_713], %swap3A_716 {strides = array<i32>} : memref<2048xf32, #tpu.memory_space<vmem>>, vector<16xf32>,
        %scan3A_717 = arith.constant 0 : i32
        %scan3A_718 = arith.constant 6 : i32
        %scan3A_719 = arith.addi %scan3A_604, %scan3A_718 : i32
        %mul3A_720 = arith.constant 16 : i32
        %mul3A_721 = arith.muli %scan3A_719, %mul3A_720 : i32
        %add3A_722 = arith.constant 1024 : i32
        %add3A_723 = arith.addi %add3A_722, %mul3A_721 : i32
        %get3A_724 = arith.index_cast %add3A_723 : i32 to index
        %get3A_725 = tpu.vector_load %arg7[%get3A_724] {strides = array<i32>} : memref<2048xf32, #tpu.memory_space<vmem>>, vector<16xf32>,
        %get3A_726 = vector.shape_cast %get3A_725 : vector<16xf32> to vector<16xf32>
        %sub3A_727 = arith.subf %get3A_726, %add3A_592 : vector<16xf32>
        %mul3A_728 = arith.constant 16 : i32
        %mul3A_729 = arith.muli %scan3A_719, %mul3A_728 : i32
        %add3A_730 = arith.constant 1024 : i32
        %add3A_731 = arith.addi %add3A_730, %mul3A_729 : i32
        %swap3A_732 = arith.index_cast %add3A_731 : i32 to index
        %swap3A_733 = tpu.vector_load %arg7[%swap3A_732] {strides = array<i32>} : memref<2048xf32, #tpu.memory_space<vmem>>, vector<16xf32>,
        %swap3A_734 = vector.shape_cast %swap3A_733 : vector<16xf32> to vector<16xf32>
        %swap3A_735 = vector.shape_cast %sub3A_727 : vector<16xf32> to vector<16xf32>
        tpu.vector_store %arg7[%swap3A_732], %swap3A_735 {strides = array<i32>} : memref<2048xf32, #tpu.memory_space<vmem>>, vector<16xf32>,
        %scan3A_736 = arith.constant 0 : i32
        %scan3A_737 = arith.constant 7 : i32
        %scan3A_738 = arith.addi %scan3A_604, %scan3A_737 : i32
        %mul3A_739 = arith.constant 16 : i32
        %mul3A_740 = arith.muli %scan3A_738, %mul3A_739 : i32
        %add3A_741 = arith.constant 1024 : i32
        %add3A_742 = arith.addi %add3A_741, %mul3A_740 : i32
        %get3A_743 = arith.index_cast %add3A_742 : i32 to index
        %get3A_744 = tpu.vector_load %arg7[%get3A_743] {strides = array<i32>} : memref<2048xf32, #tpu.memory_space<vmem>>, vector<16xf32>,
        %get3A_745 = vector.shape_cast %get3A_744 : vector<16xf32> to vector<16xf32>
        %sub3A_746 = arith.subf %get3A_745, %add3A_592 : vector<16xf32>
        %mul3A_747 = arith.constant 16 : i32
        %mul3A_748 = arith.muli %scan3A_738, %mul3A_747 : i32
        %add3A_749 = arith.constant 1024 : i32
        %add3A_750 = arith.addi %add3A_749, %mul3A_748 : i32
        %swap3A_751 = arith.index_cast %add3A_750 : i32 to index
        %swap3A_752 = tpu.vector_load %arg7[%swap3A_751] {strides = array<i32>} : memref<2048xf32, #tpu.memory_space<vmem>>, vector<16xf32>,
        %swap3A_753 = vector.shape_cast %swap3A_752 : vector<16xf32> to vector<16xf32>
        %swap3A_754 = vector.shape_cast %sub3A_746 : vector<16xf32> to vector<16xf32>
        tpu.vector_store %arg7[%swap3A_751], %swap3A_754 {strides = array<i32>} : memref<2048xf32, #tpu.memory_space<vmem>>, vector<16xf32>,
        %scan3A_755 = arith.constant 0 : i32
        scf.yield %scan3A_755 : i32
      }
      %scan3A_599 = arith.constant 64 : i32
      %add3A_600 = arith.constant 1 : i32
      %add3A_601 = arith.addi %mul3A_4, %add3A_600 : i32
      %mul3A_602 = arith.constant 1000 : i32
      %mul3A_603 = arith.muli %add3A_601, %mul3A_602 : i32
      "tpu.region"() ({
        %run_scoped3A = tpu.sem_alloc : memref<!tpu.dma_semaphore, #tpu.memory_space<semaphore_mem>>
        %dma_start3A_604 = arith.constant 1024 : i32
        %dma_start3A_605 = tpu.memref_slice %arg7[%dma_start3A_604] : memref<2048xf32, #tpu.memory_space<vmem>> -> memref<1000xf32, #tpu.memory_space<vmem>>
        %dma_start3A_606 = tpu.memref_slice %arg4[%mul3A_603] : memref<50000xf32, #tpu.memory_space<hbm>> -> memref<1000xf32, #tpu.memory_space<hbm>>
        %dma_start3A_607 = tpu.memref_slice %arg4[%mul3A_603] : memref<50000xf32, #tpu.memory_space<hbm>> -> memref<1000xf32, #tpu.memory_space<hbm>>
        %dma_start3A_608 = arith.constant 1024 : i32
        %dma_start3A_609 = tpu.memref_slice %arg7[%dma_start3A_608] : memref<2048xf32, #tpu.memory_space<vmem>> -> memref<1000xf32, #tpu.memory_space<vmem>>
        tpu.enqueue_dma source(%dma_start3A_609 : memref<1000xf32, #tpu.memory_space<vmem>>) target(%dma_start3A_607 : memref<1000xf32, #tpu.memory_space<hbm>>) target_semaphore(%run_scoped3A : memref<!tpu.dma_semaphore, #tpu.memory_space<semaphore_mem>>)
        %dma_wait3A_610 = arith.constant 1024 : i32
        %dma_wait3A_611 = tpu.memref_slice %arg7[%dma_wait3A_610] : memref<2048xf32, #tpu.memory_space<vmem>> -> memref<1000xf32, #tpu.memory_space<vmem>>
        %dma_wait3A_612 = tpu.memref_slice %arg4[%mul3A_603] : memref<50000xf32, #tpu.memory_space<hbm>> -> memref<1000xf32, #tpu.memory_space<hbm>>
        %dma_wait3A_613 = tpu.memref_slice %arg4[%mul3A_603] : memref<50000xf32, #tpu.memory_space<hbm>> -> memref<1000xf32, #tpu.memory_space<hbm>>
        %dma_wait3A_614 = arith.constant 1024 : i32
        %dma_wait3A_615 = tpu.memref_slice %arg7[%dma_wait3A_614] : memref<2048xf32, #tpu.memory_space<vmem>> -> memref<1000xf32, #tpu.memory_space<vmem>>
        tpu.wait_dma2 semaphore(%run_scoped3A : memref<!tpu.dma_semaphore, #tpu.memory_space<semaphore_mem>>) src(%dma_wait3A_615 : memref<1000xf32, #tpu.memory_space<vmem>>) dst(%dma_wait3A_613 : memref<1000xf32, #tpu.memory_space<hbm>>)
        tpu.yield
      }) : () -> ()
    } else {
    }
    return
  }
}

</mosaic_0001>

<sc_bundles>
// kernel: kernel.3.cloned.1.call-start
scs
__scs_entry_jumppad:
0x0: {  	(pc) =	sbr.rel $0x88, $3  }
0x1: {  	(tag) =	ssettag $0x0;
	lr =	simm.s32 $0x1  }
0x2: {  	[smem:$0x3F9F] =	sst lr;
	_ =	strace $0xD0000000  }
0x3: {  	_ = 	snop  }
0x4: {  	_ = 	snop  }
0x5: {  	_ = 	snop  }
0x6: {  	_ = 	snop  }
0x7: {  	_ = 	snop  }
__scs_overlays_trampoline_lowered:
0x8: {  	[smem:$0x3FAE] =	sst s0  }
0x9: {  	[smem:$0x3FAF] =	sst s1  }
0xa: {  	[smem:$0x3FB0] =	sst s2  }
0xb: {  	[smem:$0x3FB1] =	sst s3  }
0xc: {  	[smem:$0x3FB2] =	sst s4  }
0xd: {  	[smem:$0x3FB3] =	sst s5  }
0xe: {  	[smem:$0x3FB4] =	sst s6  }
0xf: {  	[smem:$0x3FB5] =	sst s7  }
0x10: {  	[smem:$0x3FB6] =	sst s8  }
0x11: {  	[smem:$0x3FB7] =	sst s9;
	s0 =	simm.s32 @!p0 $0x0  }
0x12: {  	s1 =	sld [smem:$0x3F9D];
	s0 =	simm.s32 @p0 $0x1  }
0x13: {  	[smem:$0x3FB8] =	sst s0;
	s0 =	simm.s32 @!p1 $0x0  }
0x14: {  	s2 =	sld [smem:$0x3F9C];
	s0 =	simm.s32 @p1 $0x1  }
0x15: {  	[smem:$0x3FB9] =	sst s0;
	s0 =	simm.s32 @!p2 $0x0  }
0x16: {  	s3 =	sld [smem:$0x3FDB];
	s0 =	simm.s32 @p2 $0x1  }
0x17: {  	s4 =	simm.s32 $0x1BF5;
	[smem:$0x3FBB] =	sst s0  }
0x18: {  	s0 =	sld [smem:$0x3F9E];
	_ =	swait.ge [sflag:s4], $0x0  }
0x19: {  	s7 =	sld [smem:$0x3F9F]  }
0x1a: {  	s8 =	sadd.s32 $0xFFFFE003, lr  }
0x1b: {  	s9 =	sadd.s32 $0xFFFFFEF7, lr;
	s5 =	simm.s32 $0xFFFFFFFF;
	p2 =	slt.u32 s8, $0xFFFFF086  }
0x1c: {  	p1 =	slt.u32 s9, $0xF7A;
	s5 =	simm.s32 @!p2 $0x0  }
0x1d: {  	s5 =	simm.s32 @p1 $0x1;
	p0 =	seq.s32 s7, s2  }
0x1e: {  	s7 =	smul.u32 @!p0 $0xF7A, s2;
	p2 =	seq.s32 @!p0 s5, $0x0  }
0x1f: {  	s9 =	smul.u32 $0xF7A, s1;
	s8 =	simm.s32 @!p0 $0x1BF5;
	p2 =	por !p2, p0  }
0x20: {  	[sflag:s8] =	ssyncset.s32 @!p0 $0xFFFFF086;
	s6 =	sadd.s32 @!p0 s3, s7;
	s7 =	simm.s32 @!p0 $0x108  }
0x21: {  	s3 =	sadd.s32 s3, s9;
	s6 =	sadd.s32 @!p0 $0x88, s6;
	s7 =	simm.s32 @p2 $0x1082  }
0x22: {  	[simem:s7], [sflag:s8] =	dma.local @!p0 [hbm:s6], $0xF7A  }
0x23: {  	s9 =	sor.u32 $0xD0000000, s2;
	s6 =	simm.s32 $0x108;
	_ =	swait.ge @!p0 [sflag:s8], $0x0  }
0x24: {  	s3 =	sadd.s32 $0x88, s3;
	s6 =	simm.s32 @!p1 $0x1082;
	[sflag:s4] =	ssyncset.s32 $0xFFFFF086  }
0x25: {  	[simem:s6], [sflag:s4] =	dma.local [hbm:s3], $0xF7A  }
0x26: {  	[smem:$0x3F9F] =	sst s1;
	(tag) =	ssettag s2;
	_ =	strace s9  }
0x27: {  	s1 =	sld [smem:$0x3FAF]  }
0x28: {  	s2 =	sld [smem:$0x3FB0]  }
0x29: {  	s4 =	sld [smem:$0x3FB2]  }
0x2a: {  	p0 =	seq.s32 s5, $0x0;
	s5 =	sld [smem:$0x3FB3]  }
0x2b: {  	s6 =	sld [smem:$0x3FB4]  }
0x2c: {  	s7 =	sld [smem:$0x3FB5]  }
0x2d: {  	s3 =	simm.s32 $0x108;
	s8 =	sld [smem:$0x3FB6]  }
0x2e: {  	s3 =	simm.s32 @!p0 $0x1082;
	s9 =	sld [smem:$0x3FB7]  }
0x2f: {  	lr =	sadd.s32 s0, s3;
	s0 =	sld [smem:$0x3FAE]  }
0x30: {  	s3 =	sld [smem:$0x3FB1]  }
0x31: {  	[smem:$0x3FBA] =	sst s10  }
0x32: {  	s10 =	sld [smem:$0x3FB8];
	_ =	sdelay $0x3  }
0x33: {  	p0 =	seq.s32 s10, $0x1;
	s10 =	sld [smem:$0x3FBA];
	_ =	sdelay $0x3  }
0x34: {  	[smem:$0x3FBA] =	sst s10  }
0x35: {  	s10 =	sld [smem:$0x3FB9];
	_ =	sdelay $0x3  }
0x36: {  	p1 =	seq.s32 s10, $0x1;
	s10 =	sld [smem:$0x3FBA];
	_ =	sdelay $0x3  }
0x37: {  	[smem:$0x3FBA] =	sst s10  }
0x38: {  	s10 =	sld [smem:$0x3FBB]  }
0x39: {  	_ = 	snop;
	(pc) =	sbr.ind lr, $3  }
0x3a: {  	_ = 	snop  }
0x3b: {  	_ = 	snop  }
0x3c: {  	p2 =	seq.s32 s10, $0x1;
	s10 =	sld [smem:$0x3FBA]  }
0x3d: {  	_ =	shalt  }
0x3e: {  	_ =	shalt  }
0x3f: {  	_ =	shalt  }
0x40: {  	_ =	shalt  }
0x41: {  	_ =	shalt  }
0x42: {  	_ =	shalt  }
0x43: {  	_ =	shalt  }
0x44: {  	_ =	shalt  }
0x45: {  	_ =	shalt  }
0x46: {  	_ =	shalt  }
0x47: {  	_ =	shalt  }
0x48: {  	_ =	shalt  }
0x49: {  	_ =	shalt  }
0x4a: {  	_ =	shalt  }
0x4b: {  	_ =	shalt  }
0x4c: {  	_ =	shalt  }
0x4d: {  	_ =	shalt  }
0x4e: {  	_ =	shalt  }
0x4f: {  	_ =	shalt  }
0x50: {  	_ =	shalt  }
0x51: {  	_ =	shalt  }
0x52: {  	_ =	shalt  }
0x53: {  	_ =	shalt  }
0x54: {  	_ =	shalt  }
0x55: {  	_ =	shalt  }
0x56: {  	_ =	shalt  }
0x57: {  	_ =	shalt  }
0x58: {  	_ =	shalt  }
0x59: {  	_ =	shalt  }
0x5a: {  	_ =	shalt  }
0x5b: {  	_ =	shalt  }
0x5c: {  	_ =	shalt  }
0x5d: {  	_ =	shalt  }
0x5e: {  	_ =	shalt  }
0x5f: {  	_ =	shalt  }
0x60: {  	_ =	shalt  }
0x61: {  	_ =	shalt  }
0x62: {  	_ =	shalt  }
0x63: {  	_ =	shalt  }
0x64: {  	_ =	shalt  }
0x65: {  	_ =	shalt  }
0x66: {  	_ =	shalt  }
0x67: {  	_ =	shalt  }
0x68: {  	_ =	shalt  }
0x69: {  	_ =	shalt  }
0x6a: {  	_ =	shalt  }
0x6b: {  	_ =	shalt  }
0x6c: {  	_ =	shalt  }
0x6d: {  	_ =	shalt  }
0x6e: {  	_ =	shalt  }
0x6f: {  	_ =	shalt  }
0x70: {  	_ =	shalt  }
0x71: {  	_ =	shalt  }
0x72: {  	_ =	shalt  }
0x73: {  	_ =	shalt  }
0x74: {  	_ =	shalt  }
0x75: {  	_ =	shalt  }
0x76: {  	_ =	shalt  }
0x77: {  	_ =	shalt  }
0x78: {  	_ =	shalt  }
0x79: {  	_ =	shalt  }
0x7a: {  	_ =	shalt  }
0x7b: {  	_ =	shalt  }
0x7c: {  	_ =	shalt  }
0x7d: {  	_ =	shalt  }
0x7e: {  	_ =	shalt  }
0x7f: {  	_ =	shalt  }
0x80: {  	_ =	shalt  }
0x81: {  	_ =	shalt  }
0x82: {  	_ =	shalt  }
0x83: {  	_ =	shalt  }
0x84: {  	_ =	shalt  }
0x85: {  	_ =	shalt  }
0x86: {  	_ =	shalt  }
0x87: {  	_ =	shalt  }
.Lfunc_end0:
.L_simem_size_0:
called_computation_lowered:
.L_overlay_start_0:
0x88: {  	s2 =	sld [smem:$0x3FD9]  }
0x89: {  	s3 =	sld [smem:$0x3FFE];
	_ =	sdelay $0x1  }
0x8a: {  	s1 =	srdreg.scid  }
0x8b: {  	s0 =	sand.u32 $0x1, s1  }
0x8c: {  	s17 =	sshll.u32 s0, $0xA;
	s2 =	sadd.s32 s3, s2  }
0x8d: {  	s2 =	sadd.s32 s2, s17  }
0x8e: {  	[smem:$0x3FC6] =	sst s2  }
0x8f: {  	_ = 	snop  }
0x90: {  	s2 =	sld [smem:$0x3FC9]  }
0x91: {  	s18 =	sld [smem:$0x3FD0];
	(tm) =	ssettm $0x1  }
0x92: {  	s4 =	sld [smem:$0x3FFB];
	_ =	sdelay $0x3  }
0x93: {  	_ =	strace s4  }
0x94: {  	s4 =	sld [smem:$0x3FFC];
	_ =	sdelay $0x3  }
0x95: {  	_ =	strace s4  }
0x96: {  	s4 =	sld [smem:$0x3FFD];
	_ =	sdelay $0x3  }
0x97: {  	_ =	strace s4  }
0x98: {  	_ =	strace $0x8FFFFFFF  }
0x99: {  	s19 =	sld [smem:$0x3FDB];
	_ =	sdelay $0x1  }
0x9a: {  	s5 =	simm.s32 $_scs_section_size  }
0x9b: {  	s6 =	simm.s32 $_size__tile_overlayer_lowered;
	s7 =	simm.s32 $_tile_overlayer_lowered  }
0x9c: {  	s22 =	simm.s32 $0x1BFF;
	s21 =	sshll.u32 s7, $0x1;
	s4 =	sadd.s32 s5, s19  }
0x9d: {  	s8 =	simm.s32 $0x0;
	s20 =	sshll.u32 s6, $0x1;
	s6 =	sadd.s32 s21, s4  }
0x9e: {  	[timem:s8], [sflag:s22] =	dma.local [hbm:s6], s20  }
0x9f: {  	_ =	swait.ge [sflag:s22], s20  }
0xa0: {  	s5 =	ssub.s32 $0x0, s20;
	[sflag:s22] =	ssyncset.done $0x0  }
0xa1: {  	[sflag:s22] =	ssyncadd.s32 s5;
	_ =	sdelay $0x1  }
0xa2: {  	s23 =	simm.s32 $0x1B8B  }
0xa3: {  	_ =	swait.ge [sflag:s23], $0x1  }
0xa4: {  	[sflag:s23] =	ssyncset.done $0x0  }
0xa5: {  	s25 =	simm.s32 $0x1B8E;
	s24 =	sld [smem:$0x3FFE];
	[sflag:s23] =	ssyncadd.s32 $0xFFFFFFFF  }
0xa6: {  	s26 =	simm.s32 $execute0_lowered;
	[smem:$0x3FD2] =	sst s25  }
0xa7: {  	s6 =	sshll.u32 s26, $0x1;
	_ =	strace $0x80000046;
	[dreg:$0x1] =	wrdreg $0xFFFFFFFF  }
0xa8: {  	s28 =	simm.s32 $_size_execute0_lowered;
	s4 =	sadd.s32 s4, s6;
	[dreg:$0x0] =	wrdreg $0x0  }
0xa9: {  	s6 =	sshll.u32 s28, $0x1;
	[dreg:$0x2] =	wrdreg s4  }
0xaa: {  	[dreg:$0x3] =	wrdreg s6  }
0xab: {  	[dreg:$0x4] =	wrdreg $0xC0  }
0xac: {  	_ =	task [dreg:s8], $0x5FFFF  }
0xad: {  	[dreg:$0x1] =	wrdreg $0xFFFFFFFF  }
0xae: {  	[dreg:$0x0] =	wrdreg $0x60  }
0xaf: {  	[dreg:$0x2] =	wrdreg s2  }
0xb0: {  	[dreg:$0x3] =	wrdreg s18  }
0xb1: {  	[dreg:$0x4] =	wrdreg s24  }
0xb2: {  	[dreg:$0x5] =	wrdreg $0x9  }
0xb3: {  	_ =	task.clear_ibuf [dreg:s8], $0x6FFFF;
	_ =	strace $0x90000046  }
0xb4: {  	s29 =	simm.s32 $0x9;
	_ =	strace $0x80000048  }
0xb5: {  	_ =	swait.ge [sflag:s29], $0x1  }
0xb6: {  	[sflag:s29] =	ssyncadd.s32 $0xFFFFFFFF  }
0xb7: {  	_ =	strace $0x90000048  }
0xb8: {  	_ =	sfence  }
0xb9: {  	s30 =	sld [smem:$0x0];
	_ =	sdelay $0x2  }
0xba: {  	s31 =	sshll.u32 s1, $0xD;
	s1 =	sshrl.u32 s1, $0x2  }
0xbb: {  	s3 =	sand.u32 $0x4000, s31;
	s1 =	sadd.s32 s1, s30  }
0xbc: {  	s0 =	sor.u32 s3, s0;
	s1 =	sshll.u32 s1, $0x11  }
0xbd: {  	s0 =	sor.u32 s1, s0  }
0xbe: {  	s0 =	sadd.s32 $0x8F2B, s0  }
0xbf: {  	[sflag:s0] =	ssyncadd.remote.s32 $0x1  }
0xc0: {  	_ =	sfence.sel $0xFFFF  }
0xc1: {  	[dreg:$0x0] =	wrdreg $0xFFFFFFFF;
	(pc) =	sbr.abs _section_cstart, $3  }
0xc2: {  	[dreg:$0x1] =	wrdreg $0xFFFFFFFF  }
0xc3: {  	_ =	task.clear_ibuf [dreg:s8], $0x2FFFF;
	_ =	strace $0x9FFFFFFF  }
0xc4: {  	(tm) =	ssettm $0x7FFFFFFF  }
0xc5: {  	_ =	shalt  }
tec
execute0_lowered:
.L_overlay_start_1:
0x0: {  	(tag) =	ssettag $0x1  }
0x1: {  	v0 =	vimm.s32 $0x2380;
	vm0 =	vcmask $0x300;
	v1 =	vimm.s32 $0xEFCDAB89  }
0x2: {  	v2 =	vimm.s32 $0x67452301;
	v3 =	vimm.s32 $0xDCFE98BA;
	v4 =	vimm.s32 $0x54761032  }
0x3: {  	v5 =	vimm.s32 $0x32107654;
	v6 =	vimm.s32 $0xFEDCBA98;
	v7 =	vimm.s32 $0x76543210  }
0x4: {  	vm1 =	vmmov $0xff;
	v0 =	vsel vm0, $0x0, v0;
	vm0 =	vcmask $0x704  }
0x5: {  	v1 =	vunpack.c.l.s4.s8 v1;
	v2 =	vunpack.c.l.s4.s8 v2;
	v3 =	vunpack.c.l.s4.s8 v3  }
0x6: {  	v4 =	vunpack.c.l.s4.s8 v4;
	v5 =	vunpack.c.l.s4.s8 v5;
	v6 =	vunpack.c.l.s4.s8 v6  }
0x7: {  	v7 =	vunpack.c.l.s4.s8 v7;
	v0 =	vsel vm0, $0x80, v0;
	vm0 =	vcmask $0xB08  }
0x8: {  	v0 =	vsel vm0, $0x100, v0;
	vm0 =	vcmask $0xF0C;
	v1 =	vunpack.c.0.s8.s32 v1  }
0x9: {  	s1 =	rddreg [dreg:$0x0];
	v2 =	vunpack.c.0.s8.s32 v2;
	v5 =	vunpack.c.0.s8.s32 v5;
	v6 =	vunpack.c.0.s8.s32 v6  }
0xa: {  	s3 =	srdreg.scid;
	s2 =	rddreg [dreg:$0x1];
	v7 =	vunpack.c.0.s8.s32 v7;
	v0 =	vsel vm0, $0x180, v0;
	vm0 =	vcmask $0x1310  }
0xb: {  	s0 =	stileid.u32;
	s7 =	rddreg [dreg:$0x2];
	s5 =	simm.s32 $0x0;
	v0 =	vsel vm0, $0x200, v0;
	vm0 =	vcmask $0x1714;
	v1 =	vcombine.low v2, v1  }
0xc: {  	s17 =	simm.s32 $0xC80;
	s18 =	simm.s32 $0x1;
	s19 =	simm.s32 $0x0;
	v2 =	vunpack.c.0.s8.s32 v3;
	v3 =	vunpack.c.0.s8.s32 v4;
	v4 =	vimm.s32 $0xBA98FEDC  }
0xd: {  	s6 =	sand.u32 $0x1, s3;
	s31 =	sshll.u32 s0, $0x1;
	s13 =	smul.u32 $0x3E8000, s0;
	v6 =	vand.u32 $0xF, v6;
	v0 =	vsel vm0, $0x280, v0;
	vm0 =	vcmask $0x1B18  }
0xe: {  	s3 =	rddreg [dreg:$0x3];
	s12 =	sor.u32 s6, s31;
	s15 =	smul.u32 $0x1F4000, s6;
	v4 =	vunpack.c.l.s4.s8 v4;
	v0 =	vsel vm0, $0x300, v0;
	vm0 =	vcmask $0x1F1C  }
0xf: {  	[smem:$0x7FF] =	sst s5;
	s16 =	sadd.s32 $0x400, s7;
	s4 =	smul.u32 $0x1F4000, s12;
	v6 =	vcombine.low v6, v7;
	v0 =	vsel vm0, $0x380, v0;
	vm0 =	vcmask $0x2320  }
0x10: {  	s11 =	ssub.s32 $0x2, s6;
	s8 =	sshllo.u32 s12, $0x1;
	s9 =	smul.u32 $0xFA, s12;
	v7 =	vimm.s32 $0xFFFFFF81;
	v0 =	vsel vm0, $0x2000, v0;
	vm0 =	vcmask $0x2724  }
0x11: {  	_ =	strace $0x80000047;
	s14 =	sshrl.u32 s11, $0x1;
	s10 =	smul.u32 $0x7D, s8;
	v2 =	vcombine.low v3, v2;
	v0 =	vsel vm0, $0x2080, v0;
	vm0 =	vcmask $0x2B28  }
.Ltmp0:
0x12: {  	p0 =	sgt.u32 s12, $0x18;
	s12 =	simm.s32 $0x2;
	v3 =	vlaneseq.u32;
	v0 =	vsel vm0, $0x2100, v0;
	vm0 =	vcmask $0x2F2C;
	(pc) =	sbr.rel .LBB2_1-.Ltmp0, $4  }
0x13: {  	s11 =	ssub.s32 s11, s14;
	s6 =	smul.u32 $0xFA000, s8;
	s13 =	sadd.s32 s15, s13;
	v4 =	vunpack.c.0.s8.s32 v4;
	v0 =	vsel vm0, $0x2180, v0;
	vm0 =	vcmask $0x3330  }
0x14: {  	s14 =	simm.s32 $0x80;
	s15 =	simm.s32 $0x880;
	s7 =	sadd.s32 s16, s9;
	v3 =	vmul.u32 $0x80, v3;
	v0 =	vsel vm0, $0x2200, v0;
	vm0 =	vcmask $0x3734  }
0x15: {  	s9 =	smax.u32 s11, $0x1;
	s11 =	sadd.s32 $0x116000, s13;
	s8 =	sadd.s32 s16, s10;
	v4 =	vcombine.low v5, v4;
	v0 =	vsel vm0, $0x2280, v0;
	vm0 =	vcmask $0x3B38  }
0x16: {  	s10 =	sadd.s32 $0x1C000, s13;
	s13 =	simm.s32 $0x400;
	s16 =	simm.s32 $0x480;
	v5 =	vimm.f32 $-Inf;
	v0 =	vsel vm0, $0x2300, v0;
	vm0 =	vcmask $0x3F20  }
.LBB2_14:
0x17: {  	[tilespmem:s20+$0xFFFFFFA0] =	vst v14;
	v11 =	vsub.f32 v11, v8  }
0x18: {  	[tilespmem:s20+$0xFFFFFFB0] =	vst v15;
	v9 =	vsub.f32 v9, v8  }
0x19: {  	v62 =	vsub.f32 v12, v8;
	[tilespmem:s20+$0xFFFFFFC0] =	vst v11  }
0x1a: {  	v63 =	vsub.f32 v10, v8;
	[tilespmem:s20+$0xFFFFFFD0] =	vst v9  }
0x1b: {  	v8 =	vsub.f32 v13, v8;
	[tilespmem:s20+$0xFFFFFFE0] =	vst v62  }
0x1c: {  	[tilespmem:s20+$0x0] =	vst v63  }
0x1d: {  	[tilespmem:s20+$0xFFFFFFF0] =	vst v8  }
0x1e: {  	[hbm4b:s8+s5] =	stream.linear.scatter [tilespmem:s17], [sflag:$0x2], $0x3E8, $0x38;
	[tilespmem:$0x1080] =	vst v63  }
0x1f: {  	_ =	swait.ge [sflag:s12], $0x3E8  }
0x20: {  	[sflag:s12] =	ssyncset.done $0x0  }
0x21: {  	[sflag:s12] =	ssyncadd.s32 $0xFFFFFC18  }
.LBB2_15:
0x22: {  	s19 =	sadd.s32 $0x1, s19  }
0x23: {  	p1 =	sne.s32 s19, s9  }
.Ltmp1:
0x24: {  	_ = 	snop;
	(pc) =	sbr.rel @!p1 .LBB2_16-.Ltmp1, $1  }
0x25: {  	_ =	sdelay $0x3  }
.LBB2_1:
.Ltmp2:
0x26: {  	(pc) =	sbr.rel @p0 .LBB2_15-.Ltmp2, $4  }
0x27: {  	[tilespmem:s5], [sflag:$0x2] =	stream.linear.gather [hbm4b:s2+s5], $0x80, $0x38;
	[tilespmem:$0x1080] =	vst v63  }
0x28: {  	_ =	swait.ge [sflag:s12], $0x80  }
0x29: {  	[sflag:s12] =	ssyncset.done $0x0  }
0x2a: {  	[sflag:s12] =	ssyncadd.s32 $0xFFFFFF80  }
0x2b: {  	v8 =	vld [tilespmem:$0x0];
	_ =	sdelay $0x4  }
0x2c: {  	(v2sf) =	vpush v8, $0x0;
	_ =	sdelay $0xe  }
0x2d: {  	s20 =	spop (v2sf)  }
0x2e: {  	s21 =	sshll.u32 s20, $0x3  }
0x2f: {  	s21 =	sand.u32 $0xFFFFFC00, s21  }
0x30: {  	s22 =	sand.u32 $0x7F, s20;
	s28 =	sadd.s32 s21, s10  }
0x31: {  	s26 =	sadd.s32 s22, s28  }
0x32: {  	s20 =	sadd.s32 $0xFFFFC000, s26  }
0x33: {  	s24 =	simm.s32 $0xC0;
	s23 =	sadd.s32 $0xFFFE8000, s26;
	v8 =	vadd.s32 s20, v0  }
0x34: {  	s25 =	sadd.s32 $0xFFFF4000, s26;
	v9 =	vadd.s32 s23, v0;
	[tilespmem:s24+$0x20] =	vst v8  }
0x35: {  	s29 =	sadd.s32 $0xFFFEC000, s26;
	v10 =	vadd.s32 s25, v0;
	[tilespmem:s24+$0xFFFFFFD0] =	vst v9  }
0x36: {  	s30 =	sadd.s32 $0xFFFE4000, s26;
	v8 =	vadd.s32 s29, v0;
	[tilespmem:s24+$0x0] =	vst v10  }
0x37: {  	s31 =	sadd.s32 $0xFFFF0000, s26;
	v9 =	vadd.s32 s30, v0;
	[tilespmem:s24+$0xFFFFFFE0] =	vst v8  }
0x38: {  	s28 =	sadd.s32 $0xFFFF8000, s26;
	s20 =	sor.u32 s22, s21;
	v8 =	vadd.s32 s31, v0;
	[tilespmem:s24+$0xFFFFFFC0] =	vst v9  }
0x39: {  	s25 =	simm.s32 $0x0;
	s23 =	sadd.s32 s4, s20;
	v9 =	vadd.s32 s28, v0;
	[tilespmem:s24+$0xFFFFFFF0] =	vst v8;
	v8 =	vadd.s32 s26, v0;
	s26 =	sadd.s32 $0x20000, s26  }
.LBB2_3:
0x3a: {  	s28 =	sadd.s32 $0xFFFE8000, s26;
	s29 =	sadd.s32 $0xFFFFC000, s26;
	v10 =	vadd.s32 s26, v0;
	s25 =	sadd.s32 $0x8, s25;
	[tilespmem:s24+$0x10] =	vst v9  }
0x3b: {  	v9 =	vadd.s32 s28, v0;
	s28 =	sadd.s32 $0xFFFEC000, s26;
	v11 =	vadd.s32 s29, v0;
	p1 =	slt.u32 s25, $0x30;
	[tilespmem:s24+$0x30] =	vst v8;
	s24 =	sadd.s32 $0x80, s24;
	v8 =	vmov v10  }
0x3c: {  	s30 =	sadd.s32 $0xFFFF8000, s26;
	s29 =	sadd.s32 $0xFFFF4000, s26;
	v10 =	vadd.s32 s28, v0;
	s28 =	sadd.s32 $0xFFFF0000, s26;
	[tilespmem:s24+$0x20] =	vst v11  }
.Ltmp3:
0x3d: {  	s31 =	sadd.s32 $0xFFFE4000, s26;
	v12 =	vadd.s32 s29, v0;
	[tilespmem:s24+$0xFFFFFFD0] =	vst v9;
	v11 =	vadd.s32 s28, v0;
	v9 =	vadd.s32 s30, v0;
	(pc) =	sbr.rel @p1 .LBB2_3-.Ltmp3, $4  }
0x3e: {  	v13 =	vadd.s32 s31, v0;
	[tilespmem:s24+$0xFFFFFFE0] =	vst v10  }
0x3f: {  	[tilespmem:s24+$0xFFFFFFC0] =	vst v13  }
0x40: {  	[tilespmem:s24+$0xFFFFFFF0] =	vst v11  }
0x41: {  	s26 =	sadd.s32 $0x20000, s26;
	[tilespmem:s24+$0x0] =	vst v12  }
0x42: {  	[tilespmem:s24+$0x10] =	vst v9;
	s25 =	sadd.s32 $0xE0000, s23  }
0x43: {  	[tilespmem:s24+$0x30] =	vst v8;
	v8 =	vadd.s32 s25, v0;
	s25 =	sadd.s32 $0xE4000, s23  }
0x44: {  	s26 =	sadd.s32 $0xE8000, s23;
	[tilespmem:$0x400] =	vst v8;
	v8 =	vadd.s32 s25, v0  }
0x45: {  	s28 =	sadd.s32 $0xEC000, s23;
	[tilespmem:$0x410] =	vst v8;
	v8 =	vadd.s32 s26, v0  }
0x46: {  	s29 =	sadd.s32 $0xF0000, s23;
	[tilespmem:$0x420] =	vst v8;
	v8 =	vadd.s32 s28, v0  }
0x47: {  	s30 =	sadd.s32 $0xF4000, s23;
	s31 =	sadd.s32 $0xF8000, s23;
	[tilespmem:$0x430] =	vst v8;
	v8 =	vadd.s32 s29, v0  }
0x48: {  	v9 =	vor.u32 s31, v3;
	[tilespmem:$0x440] =	vst v8;
	v8 =	vadd.s32 s30, v0  }
0x49: {  	s21 =	sadd.s32 s21, s11;
	[tilespmem:$0x450] =	vst v8;
	v8 =	vsel vm0, s23, v9  }
0x4a: {  	v9 =	vmov s23;
	s23 =	sadd.s32 s22, s21;
	[tilespmem:$0x460] =	vst v8  }
0x4b: {  	s21 =	simm.s32 $0x4F0;
	[tilespmem:$0x470] =	vst v9;
	s22 =	sadd.s32 $0xFFFFC000, s23;
	s25 =	sadd.s32 $0xFFFE8000, s23  }
0x4c: {  	[tilespmem:s15], [sflag:$0x1] =	stream.indirect.gather [hbm4b:s1+s13], $0x1, s14, s13, $0xb8;
	v8 =	vadd.s32 s22, v0;
	[tilespmem:$0x1080] =	vst v63  }
0x4d: {  	s30 =	sadd.s32 $0xFFFF4000, s23;
	v9 =	vadd.s32 s25, v0;
	[tilespmem:s21+$0xFFFFFFF0] =	vst v8  }
0x4e: {  	s26 =	sadd.s32 $0xFFFEC000, s23;
	v10 =	vadd.s32 s30, v0;
	[tilespmem:s21+$0xFFFFFFA0] =	vst v9  }
0x4f: {  	s28 =	sadd.s32 $0xFFFE4000, s23;
	v8 =	vadd.s32 s26, v0;
	[tilespmem:s21+$0xFFFFFFD0] =	vst v10  }
0x50: {  	s29 =	sadd.s32 $0xFFFF0000, s23;
	v9 =	vadd.s32 s28, v0;
	[tilespmem:s21+$0xFFFFFFB0] =	vst v8  }
0x51: {  	s31 =	sadd.s32 $0xFFFF8000, s23;
	v8 =	vadd.s32 s29, v0;
	[tilespmem:s21+$0xFFFFFF90] =	vst v9  }
0x52: {  	s20 =	sadd.s32 s6, s20;
	s22 =	simm.s32 $0x0;
	v9 =	vadd.s32 s31, v0;
	[tilespmem:s21+$0xFFFFFFC0] =	vst v8;
	v8 =	vadd.s32 s23, v0;
	s23 =	sadd.s32 $0x20000, s23  }
.LBB2_5:
0x53: {  	s24 =	sadd.s32 $0xFFFE8000, s23;
	s25 =	sadd.s32 $0xFFFFC000, s23;
	v10 =	vadd.s32 s23, v0;
	s22 =	sadd.s32 $0x8, s22;
	[tilespmem:s21+$0xFFFFFFE0] =	vst v9  }
0x54: {  	v9 =	vadd.s32 s24, v0;
	s24 =	sadd.s32 $0xFFFEC000, s23;
	v11 =	vadd.s32 s25, v0;
	p1 =	slt.u32 s22, $0x30;
	[tilespmem:s21+$0x0] =	vst v8;
	s21 =	sadd.s32 $0x80, s21;
	v8 =	vmov v10  }
0x55: {  	s26 =	sadd.s32 $0xFFFF8000, s23;
	s25 =	sadd.s32 $0xFFFF4000, s23;
	v10 =	vadd.s32 s24, v0;
	s24 =	sadd.s32 $0xFFFF0000, s23;
	[tilespmem:s21+$0xFFFFFFF0] =	vst v11  }
.Ltmp4:
0x56: {  	s28 =	sadd.s32 $0xFFFE4000, s23;
	v12 =	vadd.s32 s25, v0;
	[tilespmem:s21+$0xFFFFFFA0] =	vst v9;
	v11 =	vadd.s32 s24, v0;
	v9 =	vadd.s32 s26, v0;
	(pc) =	sbr.rel @p1 .LBB2_5-.Ltmp4, $4  }
0x57: {  	v13 =	vadd.s32 s28, v0;
	[tilespmem:s21+$0xFFFFFFB0] =	vst v10  }
0x58: {  	[tilespmem:s21+$0xFFFFFF90] =	vst v13  }
0x59: {  	[tilespmem:s21+$0xFFFFFFC0] =	vst v11  }
0x5a: {  	s23 =	sadd.s32 $0x20000, s23;
	[tilespmem:s21+$0xFFFFFFD0] =	vst v12  }
0x5b: {  	[tilespmem:s21+$0xFFFFFFE0] =	vst v9;
	s22 =	sadd.s32 $0xE0000, s20  }
0x5c: {  	[tilespmem:s21+$0x0] =	vst v8;
	s28 =	sadd.s32 $0xF4000, s20;
	v8 =	vadd.s32 s22, v0  }
0x5d: {  	s23 =	sadd.s32 $0xE4000, s20;
	v9 =	vadd.s32 s28, v0;
	[tilespmem:$0x800] =	vst v8  }
0x5e: {  	s24 =	sadd.s32 $0xE8000, s20;
	v8 =	vadd.s32 s23, v0;
	[tilespmem:$0x850] =	vst v9  }
0x5f: {  	s25 =	sadd.s32 $0xEC000, s20;
	[tilespmem:$0x810] =	vst v8;
	v8 =	vadd.s32 s24, v0  }
0x60: {  	s26 =	sadd.s32 $0xF0000, s20;
	[tilespmem:$0x820] =	vst v8;
	v8 =	vadd.s32 s25, v0  }
0x61: {  	s29 =	sadd.s32 $0xF8000, s20;
	[tilespmem:$0x830] =	vst v8;
	v8 =	vadd.s32 s26, v0  }
0x62: {  	v9 =	vmov s20;
	[tilespmem:$0x840] =	vst v8;
	v8 =	vor.u32 s29, v3  }
0x63: {  	[tilespmem:$0x870] =	vst v9;
	v8 =	vsel vm0, s20, v8  }
0x64: {  	[tilespmem:$0x860] =	vst v8  }
0x65: {  	[tilespmem:s17], [sflag:$0x1] =	stream.indirect.gather [hbm4b:s1+s13], $0x1, s16, s13, $0xb8;
	[tilespmem:$0x1080] =	vst v63  }
0x66: {  	_ =	swait.ge [sflag:s18], $0x400  }
0x67: {  	[sflag:s18] =	ssyncset.done $0x0  }
0x68: {  	[sflag:s18] =	ssyncadd.s32 $0xFFFFFC00  }
0x69: {  	v8 =	vld [tilespmem:$0xC60]  }
0x6a: {  	v9 =	vld [tilespmem:$0x880]  }
0x6b: {  	v10 =	vld [tilespmem:$0x890]  }
0x6c: {  	v11 =	vld [tilespmem:$0x8A0]  }
0x6d: {  	v12 =	vld [tilespmem:$0x8B0]  }
0x6e: {  	v13 =	vld [tilespmem:$0x8C0]  }
0x6f: {  	v14 =	vld [tilespmem:$0x8D0]  }
0x70: {  	v9 =	vmax.f32 v9, v10;
	v10 =	vld [tilespmem:$0x8E0]  }
0x71: {  	v9 =	vmax.f32 v9, v11;
	v11 =	vld [tilespmem:$0x8F0]  }
0x72: {  	v9 =	vmax.f32 v9, v12;
	v12 =	vld [tilespmem:$0x900]  }
0x73: {  	v9 =	vmax.f32 v9, v13;
	v13 =	vld [tilespmem:$0x910]  }
0x74: {  	v9 =	vmax.f32 v9, v14;
	v14 =	vld [tilespmem:$0x920]  }
0x75: {  	v9 =	vmax.f32 v9, v10;
	v10 =	vld [tilespmem:$0x930]  }
0x76: {  	v9 =	vmax.f32 v9, v11;
	v11 =	vld [tilespmem:$0x940]  }
0x77: {  	v9 =	vmax.f32 v9, v12;
	v12 =	vld [tilespmem:$0x950]  }
0x78: {  	v9 =	vmax.f32 v9, v13;
	v13 =	vld [tilespmem:$0x960]  }
0x79: {  	v9 =	vmax.f32 v9, v14;
	v14 =	vld [tilespmem:$0x970]  }
0x7a: {  	v9 =	vmax.f32 v9, v10;
	v10 =	vld [tilespmem:$0x980]  }
0x7b: {  	v9 =	vmax.f32 v9, v11;
	v11 =	vld [tilespmem:$0x990]  }
0x7c: {  	v9 =	vmax.f32 v9, v12;
	v12 =	vld [tilespmem:$0x9A0]  }
0x7d: {  	v9 =	vmax.f32 v9, v13;
	v13 =	vld [tilespmem:$0x9B0]  }
0x7e: {  	v9 =	vmax.f32 v9, v14;
	v14 =	vld [tilespmem:$0x9C0]  }
0x7f: {  	v9 =	vmax.f32 v9, v10;
	v10 =	vld [tilespmem:$0x9D0]  }
0x80: {  	v9 =	vmax.f32 v9, v11;
	v11 =	vld [tilespmem:$0x9E0]  }
0x81: {  	v9 =	vmax.f32 v9, v12;
	v12 =	vld [tilespmem:$0x9F0]  }
0x82: {  	v9 =	vmax.f32 v9, v13;
	v13 =	vld [tilespmem:$0xA00]  }
0x83: {  	v9 =	vmax.f32 v9, v14;
	v14 =	vld [tilespmem:$0xA10]  }
0x84: {  	v9 =	vmax.f32 v9, v10;
	v10 =	vld [tilespmem:$0xA20]  }
0x85: {  	v9 =	vmax.f32 v9, v11;
	v11 =	vld [tilespmem:$0xA30]  }
0x86: {  	v9 =	vmax.f32 v9, v12;
	v12 =	vld [tilespmem:$0xA40]  }
0x87: {  	v9 =	vmax.f32 v9, v13;
	v13 =	vld [tilespmem:$0xA50]  }
0x88: {  	v9 =	vmax.f32 v9, v14;
	v14 =	vld [tilespmem:$0xA60]  }
0x89: {  	v9 =	vmax.f32 v9, v10;
	v10 =	vld [tilespmem:$0xA70]  }
0x8a: {  	v9 =	vmax.f32 v9, v11;
	v11 =	vld [tilespmem:$0xA80]  }
0x8b: {  	v9 =	vmax.f32 v9, v12;
	v12 =	vld [tilespmem:$0xA90]  }
0x8c: {  	v9 =	vmax.f32 v9, v13;
	v13 =	vld [tilespmem:$0xAA0]  }
0x8d: {  	v9 =	vmax.f32 v9, v14;
	v14 =	vld [tilespmem:$0xAB0]  }
0x8e: {  	v9 =	vmax.f32 v9, v10;
	v10 =	vld [tilespmem:$0xAC0]  }
0x8f: {  	v9 =	vmax.f32 v9, v11;
	v11 =	vld [tilespmem:$0xAD0]  }
0x90: {  	v9 =	vmax.f32 v9, v12;
	v12 =	vld [tilespmem:$0xAE0]  }
0x91: {  	v9 =	vmax.f32 v9, v13;
	v13 =	vld [tilespmem:$0xAF0]  }
0x92: {  	v9 =	vmax.f32 v9, v14;
	v14 =	vld [tilespmem:$0xB00]  }
0x93: {  	v9 =	vmax.f32 v9, v10;
	v10 =	vld [tilespmem:$0xB10]  }
0x94: {  	v9 =	vmax.f32 v9, v11;
	v11 =	vld [tilespmem:$0xB20]  }
0x95: {  	v9 =	vmax.f32 v9, v12;
	v12 =	vld [tilespmem:$0xB30]  }
0x96: {  	v9 =	vmax.f32 v9, v13;
	v13 =	vld [tilespmem:$0xB40]  }
0x97: {  	v9 =	vmax.f32 v9, v14;
	v14 =	vld [tilespmem:$0xB50]  }
0x98: {  	v9 =	vmax.f32 v9, v10;
	v10 =	vld [tilespmem:$0xB60]  }
0x99: {  	v9 =	vmax.f32 v9, v11;
	v11 =	vld [tilespmem:$0xB70]  }
0x9a: {  	v9 =	vmax.f32 v9, v12;
	v12 =	vld [tilespmem:$0xB80]  }
0x9b: {  	v9 =	vmax.f32 v9, v13;
	v13 =	vld [tilespmem:$0xB90]  }
0x9c: {  	v9 =	vmax.f32 v9, v14;
	v14 =	vld [tilespmem:$0xBA0]  }
0x9d: {  	v9 =	vmax.f32 v9, v10;
	v10 =	vld [tilespmem:$0xBB0]  }
0x9e: {  	v9 =	vmax.f32 v9, v11;
	v11 =	vld [tilespmem:$0xBC0]  }
0x9f: {  	v9 =	vmax.f32 v9, v12;
	v12 =	vld [tilespmem:$0xBD0]  }
0xa0: {  	v9 =	vmax.f32 v9, v13;
	v13 =	vld [tilespmem:$0xBE0]  }
0xa1: {  	v9 =	vmax.f32 v9, v14;
	v14 =	vld [tilespmem:$0xBF0]  }
0xa2: {  	v9 =	vmax.f32 v9, v10;
	v10 =	vld [tilespmem:$0xC00]  }
0xa3: {  	v9 =	vmax.f32 v9, v11;
	v11 =	vld [tilespmem:$0xC10]  }
0xa4: {  	v9 =	vmax.f32 v9, v12;
	v12 =	vld [tilespmem:$0xC20]  }
0xa5: {  	v9 =	vmax.f32 v9, v13;
	v13 =	vld [tilespmem:$0xC30]  }
0xa6: {  	v8 =	vnsel vm1, $0xFF800000, v8;
	v9 =	vmax.f32 v9, v14;
	v14 =	vld [tilespmem:$0xC40]  }
0xa7: {  	[tilespmem:$0xC60] =	vst v8;
	v8 =	vmax.f32 v9, v10;
	v9 =	vld [tilespmem:$0xC50]  }
0xa8: {  	v10 =	vld [tilespmem:$0xC60];
	v8 =	vmax.f32 v8, v11  }
0xa9: {  	v8 =	vmax.f32 v8, v12  }
0xaa: {  	v8 =	vmax.f32 v8, v13  }
0xab: {  	v8 =	vmax.f32 v8, v14  }
0xac: {  	v8 =	vmax.f32 v8, v9  }
0xad: {  	v8 =	vmax.f32 v8, v10  }
0xae: {  	v9 =	vperm.xlane v8, v1;
	_ =	sdelay $0x1  }
0xaf: {  	v8 =	vmax.f32 v8, v9  }
0xb0: {  	v9 =	vperm.xlane v8, v2;
	_ =	sdelay $0x1  }
0xb1: {  	v8 =	vmax.f32 v8, v9  }
0xb2: {  	s30 =	simm.s32 $0x8C0;
	[tilespmem:$0xC70] =	vst v5;
	v9 =	vperm.xlane v8, v4  }
0xb3: {  	v10 =	vld [tilespmem:s30+$0xFFFFFFC0]  }
0xb4: {  	v8 =	vmax.f32 v8, v9  }
0xb5: {  	v11 =	vld [tilespmem:s30+$0xFFFFFFD0];
	v9 =	vperm.xlane v8, v6;
	_ =	sdelay $0x1  }
0xb6: {  	v8 =	vmax.f32 v8, v9;
	v9 =	vld [tilespmem:s30+$0xFFFFFFE0]  }
0xb7: {  	v10 =	vsub.f32 v10, v8  }
0xb8: {  	v12 =	vld [tilespmem:s30+$0xFFFFFFF0]  }
0xb9: {  	v11 =	vsub.f32 v11, v8;
	v10 =	vmul.f32 $1.442695020e+00, v10;
	_ =	sdelay $0x1  }
0xba: {  	v13 =	vld [tilespmem:s30+$0x0];
	v11 =	vmul.f32 $1.442695020e+00, v11;
	v9 =	vsub.f32 v9, v8;
	(erf) = vpow2.f32 v10;
	_ =	sdelay $0x1  }
0xbb: {  	v12 =	vsub.f32 v12, v8;
	v10 =	vld [tilespmem:s30+$0x10];
	(erf) = vpow2.f32 v11;
	v9 =	vmul.f32 $1.442695020e+00, v9  }
0xbc: {  	v14 =	vld [tilespmem:s30+$0x20]  }
0xbd: {  	v12 =	vmul.f32 $1.442695020e+00, v12;
	(erf) = vpow2.f32 v9  }
0xbe: {  	v11 =	vsub.f32 v13, v8  }
0xbf: {  	(erf) = vpow2.f32 v12;
	v12 =	vld [tilespmem:s30+$0x30]  }
0xc0: {  	s31 =	simm.s32 $0x940;
	v9 =	vsub.f32 v10, v8;
	v10 =	vmul.f32 $1.442695020e+00, v11  }
0xc1: {  	v13 =	vld [tilespmem:s31+$0xFFFFFFC0];
	v11 =	vsub.f32 v14, v8  }
0xc2: {  	v15 =	vld [tilespmem:s31+$0xFFFFFFD0];
	v9 =	vmul.f32 $1.442695020e+00, v9;
	(erf) = vpow2.f32 v10;
	v10 =	vimm.f32 $0.0e+00;
	v14 =	vpop (erf)  }
0xc3: {  	v10 =	vadd.f32 v14, v10  }
0xc4: {  	v11 =	vmul.f32 $1.442695020e+00, v11;
	(erf) = vpow2.f32 v9;
	v9 =	vld [tilespmem:s31+$0xFFFFFFE0];
	v14 =	vpop (erf);
	v12 =	vsub.f32 v12, v8  }
0xc5: {  	v10 =	vadd.f32 v14, v10  }
0xc6: {  	v13 =	vsub.f32 v13, v8;
	(erf) = vpow2.f32 v11;
	v11 =	vld [tilespmem:s31+$0xFFFFFFF0];
	v12 =	vmul.f32 $1.442695020e+00, v12;
	v14 =	vpop (erf)  }
0xc7: {  	v10 =	vadd.f32 v14, v10;
	v14 =	vsub.f32 v15, v8  }
0xc8: {  	v16 =	vld [tilespmem:s31+$0x0];
	v13 =	vmul.f32 $1.442695020e+00, v13;
	v15 =	vpop (erf);
	(erf) = vpow2.f32 v12  }
0xc9: {  	v9 =	vsub.f32 v9, v8;
	v12 =	vmul.f32 $1.442695020e+00, v14  }
0xca: {  	v17 =	vld [tilespmem:s31+$0x10];
	(erf) = vpow2.f32 v13;
	v10 =	vadd.f32 v15, v10  }
0xcb: {  	v14 =	vsub.f32 v11, v8;
	v11 =	vpop (erf);
	v15 =	vmul.f32 $1.442695020e+00, v9  }
0xcc: {  	v9 =	vld [tilespmem:s31+$0x20];
	v18 =	vadd.f32 v11, v10;
	(erf) = vpow2.f32 v12  }
0xcd: {  	v11 =	vsub.f32 v16, v8;
	v12 =	vpop (erf)  }
0xce: {  	v13 =	vmul.f32 $1.442695020e+00, v14;
	v10 =	vld [tilespmem:s31+$0x30];
	(erf) = vpow2.f32 v15;
	v14 =	vadd.f32 v12, v18  }
0xcf: {  	s21 =	simm.s32 $0x9C0;
	s20 =	simm.s32 $0x8;
	v12 =	vsub.f32 v17, v8;
	v15 =	vpop (erf)  }
.LBB2_7:
0xd0: {  	v16 =	vld [tilespmem:s21+$0xFFFFFFC0];
	v11 =	vmul.f32 $1.442695020e+00, v11;
	(erf) = vpow2.f32 v13;
	v17 =	vadd.f32 v15, v14  }
0xd1: {  	s20 =	sadd.s32 $0x8, s20;
	v9 =	vsub.f32 v9, v8;
	v14 =	vpop (erf)  }
0xd2: {  	p1 =	slt.u32 s20, $0x38;
	v12 =	vmul.f32 $1.442695020e+00, v12;
	v15 =	vld [tilespmem:s21+$0xFFFFFFD0];
	(erf) = vpow2.f32 v11;
	v11 =	vadd.f32 v14, v17  }
0xd3: {  	v10 =	vsub.f32 v10, v8;
	v13 =	vpop (erf)  }
0xd4: {  	v9 =	vmul.f32 $1.442695020e+00, v9;
	v14 =	vld [tilespmem:s21+$0xFFFFFFE0];
	v11 =	vadd.f32 v13, v11;
	(erf) = vpow2.f32 v12  }
0xd5: {  	v12 =	vsub.f32 v16, v8;
	v13 =	vpop (erf)  }
0xd6: {  	v10 =	vmul.f32 $1.442695020e+00, v10;
	v16 =	vld [tilespmem:s21+$0xFFFFFFF0];
	v11 =	vadd.f32 v13, v11;
	(erf) = vpow2.f32 v9  }
0xd7: {  	v9 =	vsub.f32 v15, v8;
	v13 =	vpop (erf)  }
0xd8: {  	v12 =	vmul.f32 $1.442695020e+00, v12;
	v15 =	vld [tilespmem:s21+$0x0];
	v11 =	vadd.f32 v13, v11;
	(erf) = vpow2.f32 v10  }
0xd9: {  	v10 =	vsub.f32 v14, v8;
	v13 =	vpop (erf)  }
0xda: {  	v14 =	vmul.f32 $1.442695020e+00, v9;
	v17 =	vld [tilespmem:s21+$0x10];
	(erf) = vpow2.f32 v12;
	v11 =	vadd.f32 v13, v11  }
.Ltmp5:
0xdb: {  	v12 =	vsub.f32 v16, v8;
	v13 =	vpop (erf);
	(pc) =	sbr.rel @p1 .LBB2_7-.Ltmp5, $4  }
0xdc: {  	v16 =	vmul.f32 $1.442695020e+00, v10;
	v9 =	vld [tilespmem:s21+$0x20];
	(erf) = vpow2.f32 v14;
	v14 =	vadd.f32 v13, v11  }
0xdd: {  	v11 =	vsub.f32 v15, v8;
	v15 =	vpop (erf)  }
0xde: {  	v13 =	vmul.f32 $1.442695020e+00, v12;
	v10 =	vld [tilespmem:s21+$0x30];
	(erf) = vpow2.f32 v16;
	v14 =	vadd.f32 v15, v14  }
0xdf: {  	s21 =	sadd.s32 $0x80, s21;
	v12 =	vsub.f32 v17, v8;
	v15 =	vpop (erf)  }
0xe0: {  	(erf) = vpow2.f32 v13;
	v13 =	vadd.f32 v15, v14  }
0xe1: {  	v11 =	vmul.f32 $1.442695020e+00, v11  }
0xe2: {  	v9 =	vsub.f32 v9, v8;
	v14 =	vpop (erf);
	v12 =	vmul.f32 $1.442695020e+00, v12  }
0xe3: {  	(erf) = vpow2.f32 v11;
	v11 =	vadd.f32 v14, v13  }
0xe4: {  	v10 =	vsub.f32 v10, v8;
	v9 =	vmul.f32 $1.442695020e+00, v9;
	v13 =	vpop (erf)  }
0xe5: {  	(erf) = vpow2.f32 v12;
	v11 =	vadd.f32 v13, v11  }
0xe6: {  	v12 =	vpop (erf);
	v10 =	vmul.f32 $1.442695020e+00, v10  }
0xe7: {  	(erf) = vpow2.f32 v9;
	v11 =	vadd.f32 v12, v11  }
0xe8: {  	v9 =	vpop (erf)  }
0xe9: {  	(erf) = vpow2.f32 v10;
	v9 =	vadd.f32 v9, v11  }
0xea: {  	v10 =	vpop (erf)  }
0xeb: {  	v9 =	vadd.f32 v10, v9  }
0xec: {  	v10 =	vpop (erf)  }
0xed: {  	v9 =	vadd.f32 v10, v9  }
0xee: {  	v10 =	vpop (erf)  }
0xef: {  	v9 =	vadd.f32 v10, v9  }
0xf0: {  	v10 =	vpop (erf)  }
0xf1: {  	v9 =	vadd.f32 v10, v9  }
0xf2: {  	v10 =	vpop (erf)  }
0xf3: {  	v9 =	vadd.f32 v10, v9;
	_ =	sdelay $0x1  }
0xf4: {  	v10 =	vperm.xlane v9, v1;
	_ =	sdelay $0x1  }
0xf5: {  	v9 =	vadd.f32 v10, v9;
	_ =	sdelay $0x1  }
0xf6: {  	v10 =	vperm.xlane v9, v2;
	_ =	sdelay $0x1  }
0xf7: {  	v9 =	vadd.f32 v10, v9;
	_ =	sdelay $0x1  }
0xf8: {  	v10 =	vperm.xlane v9, v4;
	_ =	sdelay $0x1  }
0xf9: {  	v9 =	vadd.f32 v10, v9;
	_ =	sdelay $0x1  }
0xfa: {  	v10 =	vperm.xlane v9, v6;
	_ =	sdelay $0x1  }
0xfb: {  	v9 =	vadd.f32 v10, v9;
	_ =	sdelay $0x1  }
0xfc: {  	v10 =	vand.u32 $0x7FFFFF, v9  }
0xfd: {  	v10 =	vor.u32 $0x3F800000, v10  }
0xfe: {  	v11 =	vmul.f32 $5.000000000e-01, v10  }
0xff: {  	vm2 =	vgt.f32 v10, $1.414213540e+00  }
0x100: {  	v10 =	vsel vm2, v11, v10  }
0x101: {  	v11 =	vadd.f32 $1.000000000e+00, v10;
	_ =	sdelay $0x1  }
0x102: {  	(erf) = vrcp.f32 v11;
	_ =	sdelay $0x7  }
0x103: {  	v10 =	vadd.f32 $-1.000000000e+00, v10  }
0x104: {  	v11 =	vpop (erf)  }
0x105: {  	v10 =	vmul.f32 v11, v10;
	_ =	sdelay $0x1  }
0x106: {  	v11 =	vmul.f32 v10, v10;
	_ =	sdelay $0x1  }
0x107: {  	v12 =	vmul.f32 $2.857142980e-01, v11;
	_ =	sdelay $0x1  }
0x108: {  	v12 =	vadd.f32 $4.000000060e-01, v12;
	_ =	sdelay $0x1  }
0x109: {  	v12 =	vmul.f32 v12, v11;
	_ =	sdelay $0x1  }
0x10a: {  	v12 =	vadd.f32 $6.666666860e-01, v12;
	_ =	sdelay $0x1  }
0x10b: {  	v9 =	vshrl.u32 v9, $0x17;
	v13 =	vsel vm2, $0xFFFFFF82, v7;
	v11 =	vmul.f32 v12, v11  }
0x10c: {  	v9 =	vadd.s32 v9, v13  }
0x10d: {  	v9 =	vcvt.s32.f32 v9;
	v11 =	vadd.f32 $2.000000000e+00, v11;
	_ =	sdelay $0x1  }
0x10e: {  	s20 =	simm.s32 $0x8C0;
	v9 =	vmul.f32 $6.931471820e-01, v9;
	v10 =	vmul.f32 v11, v10  }
0x10f: {  	v12 =	vld [tilespmem:s20+$0xFFFFFFC0]  }
0x110: {  	v9 =	vadd.f32 v10, v9  }
0x111: {  	v13 =	vld [tilespmem:s20+$0xFFFFFFD0]  }
0x112: {  	v15 =	vld [tilespmem:s20+$0xFFFFFFE0];
	v8 =	vadd.f32 v9, v8  }
0x113: {  	v11 =	vld [tilespmem:s20+$0x0]  }
0x114: {  	v9 =	vld [tilespmem:s20+$0x10];
	v14 =	vsub.f32 v12, v8  }
0x115: {  	v12 =	vld [tilespmem:s20+$0x20]  }
0x116: {  	v10 =	vld [tilespmem:s20+$0x30];
	[tilespmem:s20+$0xFFFFFFC0] =	vst v14;
	v14 =	vsub.f32 v13, v8  }
0x117: {  	s21 =	simm.s32 $0x0;
	s22 =	simm.s32 $0x940;
	v15 =	vsub.f32 v15, v8;
	v13 =	vld [tilespmem:s20+$0xFFFFFFF0]  }
.LBB2_9:
0x118: {  	v16 =	vld [tilespmem:s22+$0xFFFFFFC0];
	[tilespmem:s20+$0xFFFFFFD0] =	vst v14;
	v11 =	vsub.f32 v11, v8  }
0x119: {  	s21 =	sadd.s32 $0x8, s21;
	v14 =	vld [tilespmem:s22+$0xFFFFFFD0];
	[tilespmem:s20+$0xFFFFFFE0] =	vst v15;
	v9 =	vsub.f32 v9, v8  }
0x11a: {  	p1 =	slt.u32 s21, $0x38;
	v15 =	vld [tilespmem:s22+$0xFFFFFFE0];
	[tilespmem:s20+$0x0] =	vst v11;
	v12 =	vsub.f32 v12, v8  }
.Ltmp6:
0x11b: {  	v11 =	vld [tilespmem:s22+$0x0];
	[tilespmem:s20+$0x10] =	vst v9;
	v10 =	vsub.f32 v10, v8;
	(pc) =	sbr.rel @p1 .LBB2_9-.Ltmp6, $4  }
0x11c: {  	v9 =	vld [tilespmem:s22+$0x10];
	v13 =	vsub.f32 v13, v8;
	[tilespmem:s20+$0x20] =	vst v12  }
0x11d: {  	v16 =	vsub.f32 v16, v8;
	v12 =	vld [tilespmem:s22+$0x20];
	[tilespmem:s20+$0x30] =	vst v10  }
0x11e: {  	v14 =	vsub.f32 v14, v8;
	v10 =	vld [tilespmem:s22+$0x30];
	[tilespmem:s20+$0xFFFFFFF0] =	vst v13;
	s20 =	smov.u32 s22  }
0x11f: {  	s22 =	sadd.s32 $0x80, s22;
	[tilespmem:s20+$0xFFFFFFC0] =	vst v16;
	v15 =	vsub.f32 v15, v8;
	v13 =	vld [tilespmem:s20+$0xFFFFFFF0]  }
0x120: {  	[tilespmem:s20+$0xFFFFFFD0] =	vst v14;
	v11 =	vsub.f32 v11, v8  }
0x121: {  	[tilespmem:s20+$0xFFFFFFE0] =	vst v15;
	v9 =	vsub.f32 v9, v8  }
0x122: {  	[tilespmem:s20+$0x0] =	vst v11;
	v11 =	vsub.f32 v12, v8  }
0x123: {  	[tilespmem:s20+$0x10] =	vst v9;
	v9 =	vsub.f32 v10, v8  }
0x124: {  	v8 =	vsub.f32 v13, v8;
	[tilespmem:s20+$0x20] =	vst v11  }
0x125: {  	[tilespmem:s20+$0x30] =	vst v9  }
0x126: {  	[tilespmem:s20+$0xFFFFFFF0] =	vst v8  }
0x127: {  	[hbm4b:s7+s5] =	stream.linear.scatter [tilespmem:s15], [sflag:$0x2], $0x3E8, $0x38;
	[tilespmem:$0x1080] =	vst v63  }
0x128: {  	_ =	swait.ge [sflag:s12], $0x3E8  }
0x129: {  	[sflag:s12] =	ssyncset.done $0x0  }
0x12a: {  	[sflag:s12] =	ssyncadd.s32 $0xFFFFFC18  }
0x12b: {  	_ =	swait.ge [sflag:s18], $0x400  }
0x12c: {  	[sflag:s18] =	ssyncset.done $0x0  }
0x12d: {  	[sflag:s18] =	ssyncadd.s32 $0xFFFFFC00  }
0x12e: {  	v8 =	vld [tilespmem:$0x1060]  }
0x12f: {  	v9 =	vld [tilespmem:$0xC80]  }
0x130: {  	v10 =	vld [tilespmem:$0xC90]  }
0x131: {  	v11 =	vld [tilespmem:$0xCA0]  }
0x132: {  	v12 =	vld [tilespmem:$0xCB0]  }
0x133: {  	v13 =	vld [tilespmem:$0xCC0]  }
0x134: {  	v14 =	vld [tilespmem:$0xCD0]  }
0x135: {  	v9 =	vmax.f32 v9, v10;
	v10 =	vld [tilespmem:$0xCE0]  }
0x136: {  	v9 =	vmax.f32 v9, v11;
	v11 =	vld [tilespmem:$0xCF0]  }
0x137: {  	v9 =	vmax.f32 v9, v12;
	v12 =	vld [tilespmem:$0xD00]  }
0x138: {  	v9 =	vmax.f32 v9, v13;
	v13 =	vld [tilespmem:$0xD10]  }
0x139: {  	v9 =	vmax.f32 v9, v14;
	v14 =	vld [tilespmem:$0xD20]  }
0x13a: {  	v9 =	vmax.f32 v9, v10;
	v10 =	vld [tilespmem:$0xD30]  }
0x13b: {  	v9 =	vmax.f32 v9, v11;
	v11 =	vld [tilespmem:$0xD40]  }
0x13c: {  	v9 =	vmax.f32 v9, v12;
	v12 =	vld [tilespmem:$0xD50]  }
0x13d: {  	v9 =	vmax.f32 v9, v13;
	v13 =	vld [tilespmem:$0xD60]  }
0x13e: {  	v9 =	vmax.f32 v9, v14;
	v14 =	vld [tilespmem:$0xD70]  }
0x13f: {  	v9 =	vmax.f32 v9, v10;
	v10 =	vld [tilespmem:$0xD80]  }
0x140: {  	v9 =	vmax.f32 v9, v11;
	v11 =	vld [tilespmem:$0xD90]  }
0x141: {  	v9 =	vmax.f32 v9, v12;
	v12 =	vld [tilespmem:$0xDA0]  }
0x142: {  	v9 =	vmax.f32 v9, v13;
	v13 =	vld [tilespmem:$0xDB0]  }
0x143: {  	v9 =	vmax.f32 v9, v14;
	v14 =	vld [tilespmem:$0xDC0]  }
0x144: {  	v9 =	vmax.f32 v9, v10;
	v10 =	vld [tilespmem:$0xDD0]  }
0x145: {  	v9 =	vmax.f32 v9, v11;
	v11 =	vld [tilespmem:$0xDE0]  }
0x146: {  	v9 =	vmax.f32 v9, v12;
	v12 =	vld [tilespmem:$0xDF0]  }
0x147: {  	v9 =	vmax.f32 v9, v13;
	v13 =	vld [tilespmem:$0xE00]  }
0x148: {  	v9 =	vmax.f32 v9, v14;
	v14 =	vld [tilespmem:$0xE10]  }
0x149: {  	v9 =	vmax.f32 v9, v10;
	v10 =	vld [tilespmem:$0xE20]  }
0x14a: {  	v9 =	vmax.f32 v9, v11;
	v11 =	vld [tilespmem:$0xE30]  }
0x14b: {  	v9 =	vmax.f32 v9, v12;
	v12 =	vld [tilespmem:$0xE40]  }
0x14c: {  	v9 =	vmax.f32 v9, v13;
	v13 =	vld [tilespmem:$0xE50]  }
0x14d: {  	v9 =	vmax.f32 v9, v14;
	v14 =	vld [tilespmem:$0xE60]  }
0x14e: {  	v9 =	vmax.f32 v9, v10;
	v10 =	vld [tilespmem:$0xE70]  }
0x14f: {  	v9 =	vmax.f32 v9, v11;
	v11 =	vld [tilespmem:$0xE80]  }
0x150: {  	v9 =	vmax.f32 v9, v12;
	v12 =	vld [tilespmem:$0xE90]  }
0x151: {  	v9 =	vmax.f32 v9, v13;
	v13 =	vld [tilespmem:$0xEA0]  }
0x152: {  	v9 =	vmax.f32 v9, v14;
	v14 =	vld [tilespmem:$0xEB0]  }
0x153: {  	v9 =	vmax.f32 v9, v10;
	v10 =	vld [tilespmem:$0xEC0]  }
0x154: {  	v9 =	vmax.f32 v9, v11;
	v11 =	vld [tilespmem:$0xED0]  }
0x155: {  	v9 =	vmax.f32 v9, v12;
	v12 =	vld [tilespmem:$0xEE0]  }
0x156: {  	v9 =	vmax.f32 v9, v13;
	v13 =	vld [tilespmem:$0xEF0]  }
0x157: {  	v9 =	vmax.f32 v9, v14;
	v14 =	vld [tilespmem:$0xF00]  }
0x158: {  	v9 =	vmax.f32 v9, v10;
	v10 =	vld [tilespmem:$0xF10]  }
0x159: {  	v9 =	vmax.f32 v9, v11;
	v11 =	vld [tilespmem:$0xF20]  }
0x15a: {  	v9 =	vmax.f32 v9, v12;
	v12 =	vld [tilespmem:$0xF30]  }
0x15b: {  	v9 =	vmax.f32 v9, v13;
	v13 =	vld [tilespmem:$0xF40]  }
0x15c: {  	v9 =	vmax.f32 v9, v14;
	v14 =	vld [tilespmem:$0xF50]  }
0x15d: {  	v9 =	vmax.f32 v9, v10;
	v10 =	vld [tilespmem:$0xF60]  }
0x15e: {  	v9 =	vmax.f32 v9, v11;
	v11 =	vld [tilespmem:$0xF70]  }
0x15f: {  	v9 =	vmax.f32 v9, v12;
	v12 =	vld [tilespmem:$0xF80]  }
0x160: {  	v9 =	vmax.f32 v9, v13;
	v13 =	vld [tilespmem:$0xF90]  }
0x161: {  	v9 =	vmax.f32 v9, v14;
	v14 =	vld [tilespmem:$0xFA0]  }
0x162: {  	v9 =	vmax.f32 v9, v10;
	v10 =	vld [tilespmem:$0xFB0]  }
0x163: {  	v9 =	vmax.f32 v9, v11;
	v11 =	vld [tilespmem:$0xFC0]  }
0x164: {  	v9 =	vmax.f32 v9, v12;
	v12 =	vld [tilespmem:$0xFD0]  }
0x165: {  	v9 =	vmax.f32 v9, v13;
	v13 =	vld [tilespmem:$0xFE0]  }
0x166: {  	v9 =	vmax.f32 v9, v14;
	v14 =	vld [tilespmem:$0xFF0]  }
0x167: {  	v9 =	vmax.f32 v9, v10;
	v10 =	vld [tilespmem:$0x1000]  }
0x168: {  	v9 =	vmax.f32 v9, v11;
	v11 =	vld [tilespmem:$0x1010]  }
0x169: {  	v9 =	vmax.f32 v9, v12;
	v12 =	vld [tilespmem:$0x1020]  }
0x16a: {  	v9 =	vmax.f32 v9, v13;
	v13 =	vld [tilespmem:$0x1030]  }
0x16b: {  	v8 =	vnsel vm1, $0xFF800000, v8;
	v9 =	vmax.f32 v9, v14;
	v14 =	vld [tilespmem:$0x1040]  }
0x16c: {  	[tilespmem:$0x1060] =	vst v8;
	v8 =	vmax.f32 v9, v10;
	v9 =	vld [tilespmem:$0x1050]  }
0x16d: {  	v10 =	vld [tilespmem:$0x1060];
	v8 =	vmax.f32 v8, v11  }
0x16e: {  	v8 =	vmax.f32 v8, v12  }
0x16f: {  	v8 =	vmax.f32 v8, v13  }
0x170: {  	v8 =	vmax.f32 v8, v14  }
0x171: {  	v8 =	vmax.f32 v8, v9  }
0x172: {  	v8 =	vmax.f32 v8, v10  }
0x173: {  	v9 =	vperm.xlane v8, v1;
	_ =	sdelay $0x1  }
0x174: {  	v8 =	vmax.f32 v8, v9  }
0x175: {  	v9 =	vperm.xlane v8, v2;
	_ =	sdelay $0x1  }
0x176: {  	v8 =	vmax.f32 v8, v9  }
0x177: {  	s31 =	simm.s32 $0xCF0;
	[tilespmem:$0x1070] =	vst v5;
	v9 =	vperm.xlane v8, v4  }
0x178: {  	v10 =	vld [tilespmem:s31+$0xFFFFFF90]  }
0x179: {  	v8 =	vmax.f32 v8, v9  }
0x17a: {  	v11 =	vld [tilespmem:s31+$0xFFFFFFA0];
	v9 =	vperm.xlane v8, v6;
	_ =	sdelay $0x1  }
0x17b: {  	v8 =	vmax.f32 v8, v9;
	v9 =	vld [tilespmem:s31+$0xFFFFFFB0]  }
0x17c: {  	v10 =	vsub.f32 v10, v8  }
0x17d: {  	v12 =	vld [tilespmem:s31+$0xFFFFFFC0]  }
0x17e: {  	v11 =	vsub.f32 v11, v8;
	v10 =	vmul.f32 $1.442695020e+00, v10;
	_ =	sdelay $0x1  }
0x17f: {  	v13 =	vld [tilespmem:s31+$0xFFFFFFD0];
	v11 =	vmul.f32 $1.442695020e+00, v11;
	v9 =	vsub.f32 v9, v8;
	(erf) = vpow2.f32 v10;
	_ =	sdelay $0x1  }
0x180: {  	v12 =	vsub.f32 v12, v8;
	v10 =	vld [tilespmem:s31+$0xFFFFFFE0];
	(erf) = vpow2.f32 v11;
	v9 =	vmul.f32 $1.442695020e+00, v9  }
0x181: {  	v14 =	vld [tilespmem:s31+$0xFFFFFFF0]  }
0x182: {  	v12 =	vmul.f32 $1.442695020e+00, v12;
	(erf) = vpow2.f32 v9  }
0x183: {  	v11 =	vsub.f32 v13, v8  }
0x184: {  	(erf) = vpow2.f32 v12;
	v12 =	vld [tilespmem:s31+$0x0]  }
0x185: {  	s21 =	simm.s32 $0xD70;
	v9 =	vsub.f32 v10, v8;
	v10 =	vmul.f32 $1.442695020e+00, v11  }
0x186: {  	v13 =	vld [tilespmem:s21+$0xFFFFFF90];
	v11 =	vsub.f32 v14, v8  }
0x187: {  	v15 =	vld [tilespmem:s21+$0xFFFFFFA0];
	v9 =	vmul.f32 $1.442695020e+00, v9;
	(erf) = vpow2.f32 v10;
	v10 =	vimm.f32 $0.0e+00;
	v14 =	vpop (erf)  }
0x188: {  	v10 =	vadd.f32 v14, v10  }
0x189: {  	v11 =	vmul.f32 $1.442695020e+00, v11;
	(erf) = vpow2.f32 v9;
	v9 =	vld [tilespmem:s21+$0xFFFFFFB0];
	v14 =	vpop (erf);
	v12 =	vsub.f32 v12, v8  }
0x18a: {  	v10 =	vadd.f32 v14, v10  }
0x18b: {  	v13 =	vsub.f32 v13, v8;
	(erf) = vpow2.f32 v11;
	v11 =	vld [tilespmem:s21+$0xFFFFFFC0];
	v12 =	vmul.f32 $1.442695020e+00, v12;
	v14 =	vpop (erf)  }
0x18c: {  	v10 =	vadd.f32 v14, v10;
	v14 =	vsub.f32 v15, v8  }
0x18d: {  	v16 =	vld [tilespmem:s21+$0xFFFFFFD0];
	v13 =	vmul.f32 $1.442695020e+00, v13;
	v15 =	vpop (erf);
	(erf) = vpow2.f32 v12  }
0x18e: {  	v9 =	vsub.f32 v9, v8;
	v12 =	vmul.f32 $1.442695020e+00, v14  }
0x18f: {  	v17 =	vld [tilespmem:s21+$0xFFFFFFE0];
	(erf) = vpow2.f32 v13;
	v10 =	vadd.f32 v15, v10  }
0x190: {  	v14 =	vsub.f32 v11, v8;
	v11 =	vpop (erf);
	v15 =	vmul.f32 $1.442695020e+00, v9  }
0x191: {  	v9 =	vld [tilespmem:s21+$0xFFFFFFF0];
	v18 =	vadd.f32 v11, v10;
	(erf) = vpow2.f32 v12  }
0x192: {  	v11 =	vsub.f32 v16, v8;
	v12 =	vpop (erf)  }
0x193: {  	v13 =	vmul.f32 $1.442695020e+00, v14;
	v10 =	vld [tilespmem:s21+$0x0];
	(erf) = vpow2.f32 v15;
	v14 =	vadd.f32 v12, v18  }
0x194: {  	s20 =	simm.s32 $0x8;
	s21 =	simm.s32 $0xDF0;
	v12 =	vsub.f32 v17, v8;
	v15 =	vpop (erf)  }
.LBB2_11:
0x195: {  	v16 =	vld [tilespmem:s21+$0xFFFFFF90];
	v11 =	vmul.f32 $1.442695020e+00, v11;
	(erf) = vpow2.f32 v13;
	v17 =	vadd.f32 v15, v14  }
0x196: {  	s20 =	sadd.s32 $0x8, s20;
	v9 =	vsub.f32 v9, v8;
	v14 =	vpop (erf)  }
0x197: {  	p1 =	slt.u32 s20, $0x38;
	v12 =	vmul.f32 $1.442695020e+00, v12;
	v15 =	vld [tilespmem:s21+$0xFFFFFFA0];
	(erf) = vpow2.f32 v11;
	v11 =	vadd.f32 v14, v17  }
0x198: {  	v10 =	vsub.f32 v10, v8;
	v13 =	vpop (erf)  }
0x199: {  	v9 =	vmul.f32 $1.442695020e+00, v9;
	v14 =	vld [tilespmem:s21+$0xFFFFFFB0];
	v11 =	vadd.f32 v13, v11;
	(erf) = vpow2.f32 v12  }
0x19a: {  	v12 =	vsub.f32 v16, v8;
	v13 =	vpop (erf)  }
0x19b: {  	v10 =	vmul.f32 $1.442695020e+00, v10;
	v16 =	vld [tilespmem:s21+$0xFFFFFFC0];
	v11 =	vadd.f32 v13, v11;
	(erf) = vpow2.f32 v9  }
0x19c: {  	v9 =	vsub.f32 v15, v8;
	v13 =	vpop (erf)  }
0x19d: {  	v12 =	vmul.f32 $1.442695020e+00, v12;
	v15 =	vld [tilespmem:s21+$0xFFFFFFD0];
	v11 =	vadd.f32 v13, v11;
	(erf) = vpow2.f32 v10  }
0x19e: {  	v10 =	vsub.f32 v14, v8;
	v13 =	vpop (erf)  }
0x19f: {  	v14 =	vmul.f32 $1.442695020e+00, v9;
	v17 =	vld [tilespmem:s21+$0xFFFFFFE0];
	(erf) = vpow2.f32 v12;
	v11 =	vadd.f32 v13, v11  }
.Ltmp7:
0x1a0: {  	v12 =	vsub.f32 v16, v8;
	v13 =	vpop (erf);
	(pc) =	sbr.rel @p1 .LBB2_11-.Ltmp7, $4  }
0x1a1: {  	v16 =	vmul.f32 $1.442695020e+00, v10;
	v9 =	vld [tilespmem:s21+$0xFFFFFFF0];
	(erf) = vpow2.f32 v14;
	v14 =	vadd.f32 v13, v11  }
0x1a2: {  	v11 =	vsub.f32 v15, v8;
	v15 =	vpop (erf)  }
0x1a3: {  	v13 =	vmul.f32 $1.442695020e+00, v12;
	v10 =	vld [tilespmem:s21+$0x0];
	(erf) = vpow2.f32 v16;
	v14 =	vadd.f32 v15, v14  }
0x1a4: {  	s21 =	sadd.s32 $0x80, s21;
	v12 =	vsub.f32 v17, v8;
	v15 =	vpop (erf)  }
0x1a5: {  	(erf) = vpow2.f32 v13;
	v13 =	vadd.f32 v15, v14  }
0x1a6: {  	v11 =	vmul.f32 $1.442695020e+00, v11  }
0x1a7: {  	v9 =	vsub.f32 v9, v8;
	v14 =	vpop (erf);
	v12 =	vmul.f32 $1.442695020e+00, v12  }
0x1a8: {  	(erf) = vpow2.f32 v11;
	v11 =	vadd.f32 v14, v13  }
0x1a9: {  	v10 =	vsub.f32 v10, v8;
	v9 =	vmul.f32 $1.442695020e+00, v9;
	v13 =	vpop (erf)  }
0x1aa: {  	(erf) = vpow2.f32 v12;
	v11 =	vadd.f32 v13, v11  }
0x1ab: {  	v12 =	vpop (erf);
	v10 =	vmul.f32 $1.442695020e+00, v10  }
0x1ac: {  	(erf) = vpow2.f32 v9;
	v11 =	vadd.f32 v12, v11  }
0x1ad: {  	v9 =	vpop (erf)  }
0x1ae: {  	(erf) = vpow2.f32 v10;
	v9 =	vadd.f32 v9, v11  }
0x1af: {  	v10 =	vpop (erf)  }
0x1b0: {  	v9 =	vadd.f32 v10, v9  }
0x1b1: {  	v10 =	vpop (erf)  }
0x1b2: {  	v9 =	vadd.f32 v10, v9  }
0x1b3: {  	v10 =	vpop (erf)  }
0x1b4: {  	v9 =	vadd.f32 v10, v9  }
0x1b5: {  	v10 =	vpop (erf)  }
0x1b6: {  	v9 =	vadd.f32 v10, v9  }
0x1b7: {  	v10 =	vpop (erf)  }
0x1b8: {  	v9 =	vadd.f32 v10, v9;
	_ =	sdelay $0x1  }
0x1b9: {  	v10 =	vperm.xlane v9, v1;
	_ =	sdelay $0x1  }
0x1ba: {  	v9 =	vadd.f32 v10, v9;
	_ =	sdelay $0x1  }
0x1bb: {  	v10 =	vperm.xlane v9, v2;
	_ =	sdelay $0x1  }
0x1bc: {  	v9 =	vadd.f32 v10, v9;
	_ =	sdelay $0x1  }
0x1bd: {  	v10 =	vperm.xlane v9, v4;
	_ =	sdelay $0x1  }
0x1be: {  	v9 =	vadd.f32 v10, v9;
	_ =	sdelay $0x1  }
0x1bf: {  	v10 =	vperm.xlane v9, v6;
	_ =	sdelay $0x1  }
0x1c0: {  	v9 =	vadd.f32 v10, v9;
	_ =	sdelay $0x1  }
0x1c1: {  	v10 =	vand.u32 $0x7FFFFF, v9  }
0x1c2: {  	v10 =	vor.u32 $0x3F800000, v10  }
0x1c3: {  	v11 =	vmul.f32 $5.000000000e-01, v10  }
0x1c4: {  	vm2 =	vgt.f32 v10, $1.414213540e+00  }
0x1c5: {  	v10 =	vsel vm2, v11, v10  }
0x1c6: {  	v11 =	vadd.f32 $1.000000000e+00, v10;
	_ =	sdelay $0x1  }
0x1c7: {  	(erf) = vrcp.f32 v11;
	_ =	sdelay $0x7  }
0x1c8: {  	v10 =	vadd.f32 $-1.000000000e+00, v10  }
0x1c9: {  	v11 =	vpop (erf)  }
0x1ca: {  	v10 =	vmul.f32 v11, v10;
	_ =	sdelay $0x1  }
0x1cb: {  	v11 =	vmul.f32 v10, v10;
	_ =	sdelay $0x1  }
0x1cc: {  	v12 =	vmul.f32 $2.857142980e-01, v11;
	_ =	sdelay $0x1  }
0x1cd: {  	v12 =	vadd.f32 $4.000000060e-01, v12;
	_ =	sdelay $0x1  }
0x1ce: {  	v12 =	vmul.f32 v12, v11;
	_ =	sdelay $0x1  }
0x1cf: {  	v12 =	vadd.f32 $6.666666860e-01, v12;
	_ =	sdelay $0x1  }
0x1d0: {  	v9 =	vshrl.u32 v9, $0x17;
	v13 =	vsel vm2, $0xFFFFFF82, v7;
	v11 =	vmul.f32 v12, v11  }
0x1d1: {  	v9 =	vadd.s32 v9, v13  }
0x1d2: {  	v9 =	vcvt.s32.f32 v9;
	v11 =	vadd.f32 $2.000000000e+00, v11;
	_ =	sdelay $0x1  }
0x1d3: {  	s20 =	simm.s32 $0xCF0;
	v9 =	vmul.f32 $6.931471820e-01, v9;
	v10 =	vmul.f32 v11, v10  }
0x1d4: {  	v12 =	vld [tilespmem:s20+$0xFFFFFF90]  }
0x1d5: {  	v13 =	vld [tilespmem:s20+$0xFFFFFFA0];
	v9 =	vadd.f32 v10, v9  }
0x1d6: {  	v15 =	vld [tilespmem:s20+$0xFFFFFFB0]  }
0x1d7: {  	v11 =	vld [tilespmem:s20+$0xFFFFFFC0];
	v8 =	vadd.f32 v9, v8  }
0x1d8: {  	v9 =	vld [tilespmem:s20+$0xFFFFFFD0]  }
0x1d9: {  	v16 =	vsub.f32 v12, v8;
	v12 =	vld [tilespmem:s20+$0xFFFFFFE0]  }
0x1da: {  	v10 =	vld [tilespmem:s20+$0x0];
	v14 =	vsub.f32 v13, v8  }
0x1db: {  	s21 =	simm.s32 $0x0;
	s22 =	simm.s32 $0xD70;
	v15 =	vsub.f32 v15, v8;
	v13 =	vld [tilespmem:s20+$0xFFFFFFF0];
	[tilespmem:s20+$0xFFFFFF90] =	vst v16  }
.LBB2_13:
0x1dc: {  	v16 =	vld [tilespmem:s22+$0xFFFFFF90];
	[tilespmem:s20+$0xFFFFFFA0] =	vst v14;
	v11 =	vsub.f32 v11, v8  }
0x1dd: {  	v9 =	vsub.f32 v9, v8;
	s21 =	sadd.s32 $0x8, s21;
	v14 =	vld [tilespmem:s22+$0xFFFFFFA0];
	[tilespmem:s20+$0xFFFFFFB0] =	vst v15  }
0x1de: {  	v12 =	vsub.f32 v12, v8;
	p1 =	slt.u32 s21, $0x38;
	v15 =	vld [tilespmem:s22+$0xFFFFFFB0];
	[tilespmem:s20+$0xFFFFFFC0] =	vst v11  }
.Ltmp8:
0x1df: {  	v10 =	vsub.f32 v10, v8;
	v11 =	vld [tilespmem:s22+$0xFFFFFFC0];
	[tilespmem:s20+$0xFFFFFFD0] =	vst v9;
	(pc) =	sbr.rel @p1 .LBB2_13-.Ltmp8, $4  }
0x1e0: {  	v13 =	vsub.f32 v13, v8;
	v9 =	vld [tilespmem:s22+$0xFFFFFFD0];
	[tilespmem:s20+$0xFFFFFFE0] =	vst v12  }
0x1e1: {  	v16 =	vsub.f32 v16, v8;
	v12 =	vld [tilespmem:s22+$0xFFFFFFE0];
	[tilespmem:s20+$0x0] =	vst v10  }
0x1e2: {  	v14 =	vsub.f32 v14, v8;
	v10 =	vld [tilespmem:s22+$0x0];
	[tilespmem:s20+$0xFFFFFFF0] =	vst v13;
	s20 =	smov.u32 s22  }
0x1e3: {  	s22 =	sadd.s32 $0x80, s22;
	[tilespmem:s20+$0xFFFFFF90] =	vst v16;
	v15 =	vsub.f32 v15, v8;
	v13 =	vld [tilespmem:s20+$0xFFFFFFF0]  }
.Ltmp9:
0x1e4: {  	_ = 	snop;
	(pc) =	sbr.rel .LBB2_14-.Ltmp9, $1  }
0x1e5: {  	_ =	sdelay $0x3  }
.LBB2_16:
0x1e6: {  	_ =	sfence.sel $0x180000  }
0x1e7: {  	[bflag:$0x0] =	sbarrier.arrive $0xFFFF  }
0x1e8: {  	p0 =	sne.s32 s0, $0x0;
	_ =	strace $0x90000047  }
0x1e9: {  	s0 =	sadd.s32 @!p0 $0x100000, s3;
	[bflag:$0x2] =	sbarrier.arrive $0xFFFF  }
0x1ea: {  	[sflag:s0] =	ssyncadd.tile.s32 @!p0 $0x1;
	_ =	shalt  }
.Lfunc_end2:
_tile_overlayer_lowered:
.L_overlay_start_2:
0x1eb: {  	(tag) =	ssettag $0x2  }
0x1ec: {  	s0 =	rddreg [dreg:$0x0];
	s2 =	stileid.u32  }
0x1ed: {  	s1 =	rddreg [dreg:$0x1];
	p0 =	sne.s32 s2, $0x0  }
0x1ee: {  	s3 =	rddreg [dreg:$0x2];
	[bflag:$0x3] =	sbarrier.arrive $0xFFFF;
	s2 =	simm.s32 @!p0 $0x1C02  }
0x1ef: {  	[timem:s3], [sflag:s2] =	dma.local @!p0 [hbm:s0], s1  }
0x1f0: {  	s0 =	simm.s32 @!p0 $0x2  }
0x1f1: {  	_ =	swait.ge @!p0 [sflag:s0], s1  }
0x1f2: {  	s1 =	ssub.s32 @!p0 $0x0, s1;
	[sflag:s0] =	ssyncset.done @!p0 $0x0  }
0x1f3: {  	[sflag:s0] =	ssyncadd.s32 @!p0 s1  }
0x1f4: {  	[bflag:$0x3] =	sbarrier.arrive $0xFFFF  }
0x1f5: {  	_ =	shalt  }

</sc_bundles>
